<compile_context>
chip_gen: v7x
topology: tpu7x:2x2x1
jax: 0.10.2.dev20260603
libtpu: 0.0.44.dev20260713+nightly
codegen_flags: <defaults>
</compile_context>

<pallas_src>
import functools

import numpy as np

import jax
import jax.numpy as jnp
from jax import lax
from jax.experimental import pallas as pl
from jax.experimental.pallas import tpu as pltpu
from jax.experimental.pallas import tpu_sc as plsc

N_FFT, HOP, WIN, SR = 2048, 300, 1200, 24000
F_BINS = 128
NROW = 680
HP = jax.lax.Precision.HIGHEST
DP = jax.lax.Precision.DEFAULT
GP = jax.lax.Precision.HIGH


def _mel_fb_np():
    n_freqs = N_FFT // 2 + 1
    all_freqs = np.linspace(0.0, SR / 2.0, n_freqs)
    hz2mel = lambda f: 2595.0 * np.log10(1.0 + f / 700.0)
    mel2hz = lambda m: 700.0 * (10.0 ** (m / 2595.0) - 1.0)
    m_pts = np.linspace(hz2mel(0.0), hz2mel(SR / 2.0), 82)
    f_pts = mel2hz(m_pts)
    f_diff = f_pts[1:] - f_pts[:-1]
    slopes = f_pts[None, :] - all_freqs[:, None]
    down = -slopes[:, :-2] / f_diff[:-1]
    up = slopes[:, 2:] / f_diff[1:]
    return np.maximum(0.0, np.minimum(down, up)).astype(np.float64)


def _consts():
    n = np.arange(WIN)
    win = 0.5 * (1.0 - np.cos(2.0 * np.pi * n / WIN))
    window = np.zeros(N_FFT)
    window[424:424 + WIN] = win
    K = np.zeros((5, 300, 2 * F_BINS), np.float32)
    f = np.arange(F_BINS)
    for qi, q in enumerate(range(1, 6)):
        ns = 300 * q + np.arange(300)
        ang = 2.0 * np.pi * ns[:, None] * f[None, :] / N_FFT
        K[qi, :, :F_BINS] = (window[ns, None] * np.cos(ang)).astype(np.float32)
        K[qi, :, F_BINS:] = (window[ns, None] * np.sin(ang)).astype(np.float32)
    fb = _mel_fb_np()
    assert fb[F_BINS:, :20].max() == 0.0
    FBp = np.zeros((F_BINS, 128), np.float32)
    FBp[:, :20] = fb[:F_BINS, :20]
    rmask = ((np.arange(NROW) >= 8) & ((np.arange(NROW) - 8) % 168 < 160))
    return K, FBp, rmask.astype(np.float32)[:, None]


_KDFT, _FBP, _RMASK = _consts()



def _mel_body(xbig_ref, kdft_ref, fbp_ref, w1t_ref, b1_ref, mask_ref, o_ref):
    xbig = xbig_ref[...]
    kdft = kdft_ref[...]
    acc = jnp.zeros((NROW, 2 * F_BINS), jnp.float32)
    for qi in range(5):
        q = qi + 1
        sh = jnp.concatenate([xbig[q:], jnp.zeros((q, 300), jnp.float32)], 0)
        acc = acc + jnp.dot(sh, kdft[qi], precision=HP)
    re, im = acc[:, :F_BINS], acc[:, F_BINS:]
    p = re * re + im * im
    mel = jnp.dot(p, fbp_ref[...], precision=DP)
    meln = (jnp.log(1e-5 + mel) + 4.0) * 0.25
    f0 = jnp.dot(meln, w1t_ref[...], precision=DP) + b1_ref[...]
    o_ref[...] = f0 * mask_ref[...]


def _mel_call(xbig, w1t, b1r):
    return pl.pallas_call(
        _mel_body,
        out_shape=jax.ShapeDtypeStruct((NROW, 256), jnp.float32),
    )(xbig, _KDFT, _FBP, w1t, b1r, _RMASK)



def _wn_body(f0i_ref, inw_ref, inb_ref, rsw_ref, rsb_ref, mask_ref, o_ref,
             xs, outs):
    i = pl.program_id(0)

    @pl.when(i == 0)
    def _():
        xs[...] = f0i_ref[...]
        outs[...] = jnp.zeros((NROW, 256), jnp.float32)

    x = xs[...]
    inw = inw_ref[...].astype(jnp.float32)
    acc = jnp.zeros((NROW, 512), jnp.float32) + inb_ref[...][0]
    for k in range(5):
        d = k - 2
        if d < 0:
            sh = jnp.concatenate(
                [jnp.zeros((-d, 256), jnp.float32), x[:NROW + d]], 0)
        elif d > 0:
            sh = jnp.concatenate([x[d:], jnp.zeros((d, 256), jnp.float32)], 0)
        else:
            sh = x
        acc = acc + jnp.dot(sh, inw[0, k], precision=DP)
    acts = jnp.tanh(acc[:, :256]) * jax.nn.sigmoid(acc[:, 256:])
    rs = jnp.dot(acts, rsw_ref[...][0].astype(jnp.float32),
                 precision=DP) + rsb_ref[...][0]

    @pl.when(i < 7)
    def _():
        xs[...] = (x + rs[:, :256]) * mask_ref[...]
        outs[...] = outs[...] + rs[:, 256:]

    @pl.when(i == 7)
    def _():
        o_ref[...] = (outs[...] + rs[:, :256]) * mask_ref[...]


def _wn_call(f0i, in_w_t, in_b_r, rs_w_t, rs_b_r):
    full = lambda *shape: pl.BlockSpec(shape, lambda i: (0,) * len(shape))
    step = lambda *shape: pl.BlockSpec((1,) + shape, lambda i: (i,) + (0,) * len(shape))
    return pl.pallas_call(
        _wn_body,
        grid=(8,),
        in_specs=[full(NROW, 256), step(5, 256, 512), step(1, 512),
                  step(256, 512), step(1, 512), full(NROW, 1)],
        out_specs=full(NROW, 256),
        out_shape=jax.ShapeDtypeStruct((NROW, 256), jnp.float32),
        scratch_shapes=[pltpu.VMEM((NROW, 256), jnp.float32),
                        pltpu.VMEM((NROW, 256), jnp.float32)],
        compiler_params=pltpu.CompilerParams(dimension_semantics=("arbitrary",)),
    )(f0i, in_w_t, in_b_r, rs_w_t, rs_b_r, _RMASK)



def _rvq_body(wno_ref, x_ref, w2_ref, b2_ref, inw_ref, cbs_ref, cbts_ref,
              ows_ref, inb_ref, outb_ref,
              zp_ref, zc_ref, zr_ref, cp_ref, cc_ref, cr_ref, er2_ref):
    wno = wno_ref[...]
    f640 = jnp.concatenate(
        [wno[8 + 168 * b: 8 + 168 * b + 160] for b in range(4)], 0)
    f0 = jnp.dot(w2_ref[...], f640.T, precision=DP) + b2_ref[...]
    xv = x_ref[...]
    xc = jnp.concatenate([xv[b] for b in range(4)], 1)
    inw = inw_ref[...]
    cbs = cbs_ref[...]
    cbts = cbts_ref[...]
    ows = ows_ref[...]
    inb = inb_ref[...]
    outb = outb_ref[...]

    def vq(resid, i, select_only=False):
        e = jnp.dot(inw[i], resid, precision=DP) + inb[i]
        en = e / jnp.maximum(jnp.sqrt(jnp.sum(e * e, 0, keepdims=True)), 1e-12)
        t1 = jnp.sum(en * en, 0, keepdims=True)
        cbn = cbs[i] / jnp.maximum(
            jnp.sqrt(jnp.sum(cbs[i] * cbs[i], 1, keepdims=True)), 1e-12)
        t3 = jnp.sum(cbn * cbn, 1, keepdims=True)
        dist = (t1 - 2.0 * jnp.dot(cbn, en, precision=DP)) + t3
        m = jnp.min(dist, 0, keepdims=True)
        iot = jax.lax.broadcasted_iota(jnp.int32, dist.shape, 0)
        idx = jnp.min(jnp.where(dist <= m, iot, 1 << 30), 0, keepdims=True)
        if select_only:
            return idx, e
        oh = (iot == idx).astype(jnp.float32)
        g = jnp.dot(cbts[i], oh, precision=HP)
        zq8 = e + (g - e)
        zq = jnp.dot(ows[i], zq8, precision=DP) + outb[i]
        return idx, zq

    idx_p0, z_p = vq(f0, 0)
    idx_c0, zq_c0 = vq(xc, 1)
    idx_c1, zq_c1 = vq(xc - zq_c0, 2)
    z_c = zq_c0 + zq_c1
    rf = (xc - z_p) - z_c
    idx_r0, zq_r0 = vq(rf, 3)
    rf1 = rf - zq_r0
    idx_r1, zq_r1 = vq(rf1, 4)
    idx_r2, e_r2 = vq(rf1 - zq_r1, 5, select_only=True)
    z_r_part = zq_r0 + zq_r1

    for b in range(4):
        zp_ref[b] = z_p[:, 160 * b: 160 * b + 160]
        zc_ref[b] = z_c[:, 160 * b: 160 * b + 160]
        zr_ref[b] = z_r_part[:, 160 * b: 160 * b + 160]
    cp_ref[...] = idx_p0
    cc_ref[...] = jnp.concatenate([idx_c0, idx_c1], 0)
    cr_ref[...] = jnp.concatenate([idx_r0, idx_r1, idx_r2], 0)
    er2_ref[...] = e_r2


def _rvq_call(wno, x, w2, b2c, in_ws, cbs, cbts, out_ws, in_bs, out_bs):
    return pl.pallas_call(
        _rvq_body,
        out_shape=(jax.ShapeDtypeStruct((4, 1024, 160), jnp.float32),
                   jax.ShapeDtypeStruct((4, 1024, 160), jnp.float32),
                   jax.ShapeDtypeStruct((4, 1024, 160), jnp.float32),
                   jax.ShapeDtypeStruct((1, 640), jnp.int32),
                   jax.ShapeDtypeStruct((2, 640), jnp.int32),
                   jax.ShapeDtypeStruct((3, 640), jnp.int32),
                   jax.ShapeDtypeStruct((8, 640), jnp.float32)),
    )(wno, x, w2, b2c, in_ws, cbs, cbts, out_ws, in_bs, out_bs)



def _sc_gather_call(idx768, cb16):
    info = plsc.get_sparse_core_info()
    nw = info.num_cores * info.num_subcores
    bpw = 768 // nw
    mesh = plsc.VectorSubcoreMesh(core_axis_name="c", subcore_axis_name="s")

    @functools.partial(
        pl.kernel, mesh=mesh,
        out_type=jax.ShapeDtypeStruct((768, 128), jnp.float32),
        scratch_types=[pltpu.VMEM((bpw,), jnp.int32),
                       pltpu.VMEM((bpw, 128), jnp.float32),
                       pltpu.SemaphoreType.DMA],
    )
    def k(idx_hbm, cb_hbm, out_hbm, idx_v, rows_v, sem):
        wid = lax.axis_index("s") * info.num_cores + lax.axis_index("c")
        base = wid * bpw
        pltpu.sync_copy(idx_hbm.at[pl.ds(base, bpw)], idx_v)
        pltpu.async_copy(cb_hbm.at[idx_v], rows_v, sem).wait()
        pltpu.sync_copy(rows_v, out_hbm.at[pl.ds(base, bpw)])

    return k(idx768, cb16)


def _fin_body(zr_ref, er2_ref, g_ref, ow_ref, outb_ref, o_ref):
    g = g_ref[...][:640, :8].T
    e = er2_ref[...]
    zq8 = e + (g - e)
    zq = jnp.dot(ow_ref[...], zq8, precision=DP) + outb_ref[...]
    for b in range(4):
        o_ref[b] = zr_ref[b] + zq[:, 160 * b: 160 * b + 160]


def _fin_call(zr_part, er2, g, ow5, outb5):
    return pl.pallas_call(
        _fin_body,
        out_shape=jax.ShapeDtypeStruct((4, 1024, 160), jnp.float32),
    )(zr_part, er2, g, ow5, outb5)



def kernel(x, wave_segments, w1, b1, in_w, in_b, rs_w, rs_b, w2, b2,
           p_in_w, p_in_b, p_cb, p_out_w, p_out_b,
           c_in_w, c_in_b, c_cb, c_out_w, c_out_b,
           r_in_w, r_in_b, r_cb, r_out_w, r_out_b):
    wave = wave_segments[:, 0, :]
    xp = jnp.pad(wave, ((0, 0), (1024, 1024)), mode='reflect')
    x3 = jnp.pad(xp[:, :49500].reshape(4, 165, 300), ((0, 0), (0, 3), (0, 0)))
    xbig = jnp.concatenate([jnp.zeros((8, 300), jnp.float32),
                            x3.reshape(672, 300)], 0)
    w1t = jnp.pad(w1, ((0, 0), (0, 108))).T
    b1r = b1[None, :]
    in_w_t = in_w.astype(jnp.bfloat16).transpose(0, 3, 2, 1)
    in_b_r = in_b[:, None, :]
    rs_w_t = rs_w.astype(jnp.bfloat16).transpose(0, 2, 1)
    rs_b_r = rs_b[:, None, :]
    b2c = b2[:, None]

    in_ws = jnp.concatenate([p_in_w, c_in_w, r_in_w], 0)
    cbs = jnp.concatenate([p_cb, c_cb, r_cb], 0)
    cbts = cbs.transpose(0, 2, 1)
    out_ws = jnp.concatenate([p_out_w, c_out_w, r_out_w], 0)
    in_bs = jnp.concatenate([p_in_b, c_in_b, r_in_b], 0)[:, :, None]
    out_bs = jnp.concatenate([p_out_b, c_out_b, r_out_b], 0)[:, :, None]

    f0i = _mel_call(xbig, w1t, b1r)
    wno = _wn_call(f0i, in_w_t, in_b_r, rs_w_t, rs_b_r)
    z_p, z_c, z_r_part, cp, cc, cr, er2 = _rvq_call(
        wno, x, w2, b2c, in_ws, cbs, cbts, out_ws, in_bs, out_bs)

    idx768 = jnp.concatenate([cr[2], jnp.zeros((128,), jnp.int32)], 0)
    cb16 = jnp.pad(r_cb[2], ((0, 0), (0, 120)))
    g = _sc_gather_call(idx768, cb16)
    z_r = _fin_call(z_r_part, er2, g, out_ws[5], out_bs[5])

    ct = lambda c, n: c.reshape(n, 4, 160).transpose(1, 0, 2)
    return (z_p, z_c, z_r, ct(cp, 1), ct(cc, 2), ct(cr, 3))

# --- scband reference (transcript-rebuilt; emitter-appended) ---
"""Pipeline reference for scband-faquantizer-58145267254054 (READ-ONLY COPY).

The authoritative reference and input builder live on the scoring server;
editing this copy changes nothing except your own understanding.
"""

import jax, jax.numpy as jnp
import numpy as np

N_FFT = 2048
HOP = 300
WIN = 1200
SR = 24000
N_MELS = 80

def _mel_fb():
    n_freqs = N_FFT // 2 + 1
    all_freqs = np.linspace(0.0, SR / 2.0, n_freqs)
    hz2mel = lambda f: 2595.0 * np.log10(1.0 + f / 700.0)
    mel2hz = lambda m: 700.0 * (10.0 ** (m / 2595.0) - 1.0)
    m_pts = np.linspace(hz2mel(0.0), hz2mel(SR / 2.0), N_MELS + 2)
    f_pts = mel2hz(m_pts)
    f_diff = f_pts[1:] - f_pts[:-1]
    slopes = f_pts[None, :] - all_freqs[:, None]
    down = -slopes[:, :-2] / f_diff[:-1]
    up = slopes[:, 2:] / f_diff[1:]
    fb = np.maximum(0.0, np.minimum(down, up))
    return jnp.asarray(fb, dtype=jnp.float32)

_FB = _mel_fb()

def _melspec(wave):
    pad = N_FFT // 2
    xp = jnp.pad(wave, ((0, 0), (pad, pad)), mode='reflect')
    win = 0.5 * (1.0 - jnp.cos(2.0 * jnp.pi * jnp.arange(WIN) / WIN))
    lp = (N_FFT - WIN) // 2
    window = jnp.pad(win, (lp, N_FFT - WIN - lp))
    n_frames = 1 + (xp.shape[1] - N_FFT) // HOP
    idx = jnp.arange(n_frames)[:, None] * HOP + jnp.arange(N_FFT)[None, :]
    frames = xp[:, idx] * window[None, None, :]
    spec = jnp.fft.rfft(frames, axis=-1)
    power = spec.real ** 2 + spec.imag ** 2
    mel = jnp.einsum('btf,fm->bmt', power, _FB)
    return mel

def _preprocess(wave_segments, n_bins=20):
    wave = wave_segments[:, 0, :]
    mel = _melspec(wave)
    mel = (jnp.log(1e-05 + mel) - (-4.0)) / 4.0
    T = int(wave.shape[-1] // HOP)
    return mel[:, :n_bins, :T]

def _pw(x, w, b):
    return jnp.einsum('oi,bit->bot', w, x) + b[None, :, None]

def _conv5(x, w, b):
    out = jax.lax.conv_general_dilated(x, w, window_strides=(1,), padding=[(2, 2)], dimension_numbers=('NCH', 'OIH', 'NCH'))
    return out + b[None, :, None]

def _wn(x, mask, in_w, in_b, rs_w, rs_b, hidden=256, n_layers=8):
    output = jnp.zeros_like(x)
    for i in range(n_layers):
        x_in = _conv5(x, in_w[i], in_b[i])
        acts = jnp.tanh(x_in[:, :hidden]) * jax.nn.sigmoid(x_in[:, hidden:])
        if i < n_layers - 1:
            res_skip = _pw(acts, rs_w[i], rs_b[i])
            x = (x + res_skip[:, :hidden]) * mask
            output = output + res_skip[:, hidden:]
        else:
            res_skip = _pw(acts, rs_w[i][:hidden], rs_b[i][:hidden])
            output = output + res_skip
    return output * mask

def _vq(z, in_w, in_b, cb, out_w, out_b):
    z_e = _pw(z, in_w, in_b)
    B, D, T = z_e.shape
    enc = z_e.transpose(0, 2, 1).reshape(B * T, D)
    enc_n = enc / jnp.maximum(jnp.linalg.norm(enc, axis=1, keepdims=True), 1e-12)
    cb_n = cb / jnp.maximum(jnp.linalg.norm(cb, axis=1, keepdims=True), 1e-12)
    dist = jnp.sum(enc_n ** 2, axis=1, keepdims=True) - 2.0 * enc_n @ cb_n.T + jnp.sum(cb_n ** 2, axis=1)[None, :]
    indices = jnp.argmax(-dist, axis=1).reshape(B, T)
    z_q = cb[indices].transpose(0, 2, 1)
    z_q = z_e + jax.lax.stop_gradient(z_q - z_e)
    return _pw(z_q, out_w, out_b), indices

def _rvq(z, in_ws, in_bs, cbs, out_ws, out_bs, n_q):
    z_q = jnp.zeros_like(z)
    residual = z
    codes = []
    for i in range(n_q):
        z_q_i, idx = _vq(residual, in_ws[i], in_bs[i], cbs[i], out_ws[i], out_bs[i])
        z_q = z_q + z_q_i
        residual = residual - z_q_i
        codes.append(idx)
    return z_q, jnp.stack(codes, axis=1)

def setup_inputs(seed: int = 0):
    key = jax.random.key(seed)
    ks = jax.random.split(key, 16)
    B, L, T = 4, 48000, 160
    inp = {}
    inp['x'] = jax.random.normal(ks[0], (B, 1024, T), dtype=jnp.float32)
    inp['wave_segments'] = jax.random.normal(ks[1], (B, 1, L), dtype=jnp.float32) * 0.1
    inp['w1'] = jax.random.normal(ks[2], (256, 20), dtype=jnp.float32) * 0.05
    inp['b1'] = jnp.zeros((256,), jnp.float32)
    inp['in_w'] = jax.random.normal(ks[3], (8, 512, 256, 5), dtype=jnp.float32) * 0.02
    inp['in_b'] = jnp.zeros((8, 512), jnp.float32)
    inp['rs_w'] = jax.random.normal(ks[4], (8, 512, 256), dtype=jnp.float32) * 0.02
    inp['rs_b'] = jnp.zeros((8, 512), jnp.float32)
    inp['w2'] = jax.random.normal(ks[5], (1024, 256), dtype=jnp.float32) * 0.05
    inp['b2'] = jnp.zeros((1024,), jnp.float32)
    k = 6
    for name, n in (('p', 1), ('c', 2), ('r', 3)):
        inp[name + '_in_w'] = jax.random.normal(ks[k], (n, 8, 1024), dtype=jnp.float32) * 0.03; k += 1
        inp[name + '_in_b'] = jnp.zeros((n, 8), jnp.float32)
        inp[name + '_cb'] = jax.random.normal(ks[k], (n, 1024, 8), dtype=jnp.float32); k += 1
        inp[name + '_out_w'] = jax.random.normal(ks[k], (n, 1024, 8), dtype=jnp.float32) * 0.03; k += 1
        inp[name + '_out_b'] = jnp.zeros((n, 1024), jnp.float32)
    return inp

def reference(x, wave_segments, w1, b1, in_w, in_b, rs_w, rs_b, w2, b2, p_in_w, p_in_b, p_cb, p_out_w, p_out_b, c_in_w, c_in_b, c_cb, c_out_w, c_out_b, r_in_w, r_in_b, r_cb, r_out_w, r_out_b):
    prosody = _preprocess(wave_segments)
    f0 = _pw(prosody, w1, b1)
    mask = jnp.ones((f0.shape[0], 1, f0.shape[2]), dtype=f0.dtype)
    f0 = _wn(f0, mask, in_w, in_b, rs_w, rs_b)
    f0 = _pw(f0, w2, b2)
    T = min(f0.shape[2], x.shape[2])
    f0 = f0[:, :, :T]
    x = x[:, :, :T]
    z_p, codes_p = _rvq(f0, p_in_w, p_in_b, p_cb, p_out_w, p_out_b, 1)
    z_c, codes_c = _rvq(x, c_in_w, c_in_b, c_cb, c_out_w, c_out_b, 2)
    residual_feature = x - jax.lax.stop_gradient(z_p) - jax.lax.stop_gradient(z_c)
    z_r, codes_r = _rvq(residual_feature, r_in_w, r_in_b, r_cb, r_out_w, r_out_b, 3)
    return (z_p, z_c, z_r, codes_p, codes_c, codes_r)

if __name__ == "__main__":
    import jax
    _d = setup_inputs()
    print(jax.jit(kernel)(*tuple(_d.values())))

</pallas_src>

<mosaic_0001>
#map = affine_map<(d0, d1) -> (0)>
#map1 = affine_map<(d0, d1) -> (0, 0)>
module attributes {stable_mosaic.version = 14 : i64} {
  func.func @k(%arg0: i32, %arg1: i32, %arg2: memref<768xi32, #tpu.memory_space<hbm>>, %arg3: memref<1024x128xf32, #tpu.memory_space<hbm>>, %arg4: memref<768x128xf32, #tpu.memory_space<hbm>>, %arg5: memref<24xi32, #tpu.memory_space<vmem>>, %arg6: memref<24x128xf32, #tpu.memory_space<vmem>>, %arg7: memref<!tpu.dma_semaphore, #tpu.memory_space<semaphore_mem>>) attributes {dimension_semantics = [#tpu.dimension_semantics<core_parallel>, #tpu.dimension_semantics<subcore_parallel>], iteration_bounds = array<i64: 2, 16>, scalar_prefetch = 0 : i64, scratch_operands = 3 : i64, tpu.core_type = #tpu.core_type<sc_vector_subcore>, window_params = [{transform_indices = #map}, {transform_indices = #map1}, {transform_indices = #map1}]} {
    %mul3A = arith.constant 2 : i32
    %mul3A_0 = arith.muli %arg1, %mul3A : i32
    %add3A = arith.addi %mul3A_0, %arg0 : i32
    %mul3A_1 = arith.constant 24 : i32
    %mul3A_2 = arith.muli %add3A, %mul3A_1 : i32
    "tpu.region"() ({
      %run_scoped3A = tpu.sem_alloc : memref<!tpu.dma_semaphore, #tpu.memory_space<semaphore_mem>>
      %dma_start3A_7 = tpu.memref_slice %arg2[%mul3A_2] : memref<768xi32, #tpu.memory_space<hbm>> -> memref<24xi32, #tpu.memory_space<hbm>>
      %dma_start3A_8 = tpu.memref_slice %arg2[%mul3A_2] : memref<768xi32, #tpu.memory_space<hbm>> -> memref<24xi32, #tpu.memory_space<hbm>>
      tpu.enqueue_dma source(%dma_start3A_8 : memref<24xi32, #tpu.memory_space<hbm>>) target(%arg5 : memref<24xi32, #tpu.memory_space<vmem>>) target_semaphore(%run_scoped3A : memref<!tpu.dma_semaphore, #tpu.memory_space<semaphore_mem>>)
      %dma_wait3A_9 = tpu.memref_slice %arg2[%mul3A_2] : memref<768xi32, #tpu.memory_space<hbm>> -> memref<24xi32, #tpu.memory_space<hbm>>
      %dma_wait3A_10 = tpu.memref_slice %arg2[%mul3A_2] : memref<768xi32, #tpu.memory_space<hbm>> -> memref<24xi32, #tpu.memory_space<hbm>>
      tpu.wait_dma2 semaphore(%run_scoped3A : memref<!tpu.dma_semaphore, #tpu.memory_space<semaphore_mem>>) src(%dma_wait3A_10 : memref<24xi32, #tpu.memory_space<hbm>>) dst(%arg5 : memref<24xi32, #tpu.memory_space<vmem>>)
      tpu.yield
    }) : () -> ()
    %dma_start3A = arith.constant 0 : i32
    %dma_start3A_3 = arith.constant 0 : i32
    %dma_start3A_4 = tpu.memref_slice %arg3[%dma_start3A, %dma_start3A_3] : memref<1024x128xf32, #tpu.memory_space<hbm>> -> memref<1024x128xf32, #tpu.memory_space<hbm>>
    tpu.enqueue_indirect_dma source(%dma_start3A_4 : memref<1024x128xf32, #tpu.memory_space<hbm>>) target(%arg6 : memref<24x128xf32, #tpu.memory_space<vmem>>) offsets(%arg5 : memref<24xi32, #tpu.memory_space<vmem>>) semaphore(%arg7 : memref<!tpu.dma_semaphore, #tpu.memory_space<semaphore_mem>>)
    %dma_wait3A = arith.constant 0 : i32
    %dma_wait3A_5 = arith.constant 0 : i32
    %dma_wait3A_6 = tpu.memref_slice %arg3[%dma_wait3A, %dma_wait3A_5] : memref<1024x128xf32, #tpu.memory_space<hbm>> -> memref<1024x128xf32, #tpu.memory_space<hbm>>
    tpu.wait_indirect_dma semaphore(%arg7 : memref<!tpu.dma_semaphore, #tpu.memory_space<semaphore_mem>>) src(%dma_wait3A_6 : memref<1024x128xf32, #tpu.memory_space<hbm>>) dst(%arg6 : memref<24x128xf32, #tpu.memory_space<vmem>>)
    "tpu.region"() ({
      %run_scoped3A = tpu.sem_alloc : memref<!tpu.dma_semaphore, #tpu.memory_space<semaphore_mem>>
      %dma_start3A_7 = arith.constant 0 : i32
      %dma_start3A_8 = tpu.memref_slice %arg4[%mul3A_2, %dma_start3A_7] : memref<768x128xf32, #tpu.memory_space<hbm>> -> memref<24x128xf32, #tpu.memory_space<hbm>>
      %dma_start3A_9 = arith.constant 0 : i32
      %dma_start3A_10 = tpu.memref_slice %arg4[%mul3A_2, %dma_start3A_9] : memref<768x128xf32, #tpu.memory_space<hbm>> -> memref<24x128xf32, #tpu.memory_space<hbm>>
      tpu.enqueue_dma source(%arg6 : memref<24x128xf32, #tpu.memory_space<vmem>>) target(%dma_start3A_10 : memref<24x128xf32, #tpu.memory_space<hbm>>) target_semaphore(%run_scoped3A : memref<!tpu.dma_semaphore, #tpu.memory_space<semaphore_mem>>)
      %dma_wait3A_11 = arith.constant 0 : i32
      %dma_wait3A_12 = tpu.memref_slice %arg4[%mul3A_2, %dma_wait3A_11] : memref<768x128xf32, #tpu.memory_space<hbm>> -> memref<24x128xf32, #tpu.memory_space<hbm>>
      %dma_wait3A_13 = arith.constant 0 : i32
      %dma_wait3A_14 = tpu.memref_slice %arg4[%mul3A_2, %dma_wait3A_13] : memref<768x128xf32, #tpu.memory_space<hbm>> -> memref<24x128xf32, #tpu.memory_space<hbm>>
      tpu.wait_dma2 semaphore(%run_scoped3A : memref<!tpu.dma_semaphore, #tpu.memory_space<semaphore_mem>>) src(%arg6 : memref<24x128xf32, #tpu.memory_space<vmem>>) dst(%dma_wait3A_14 : memref<24x128xf32, #tpu.memory_space<hbm>>)
      tpu.yield
    }) : () -> ()
    return
  }
}

module attributes {stable_mosaic.version = 14 : i64} {
  func.func @_rvq_body(%arg0: memref<680x256xf32, #tpu.memory_space<vmem>>, %arg1: memref<4x1024x160xf32, #tpu.memory_space<vmem>>, %arg2: memref<1024x256xf32, #tpu.memory_space<vmem>>, %arg3: memref<1024x1xf32, #tpu.memory_space<vmem>>, %arg4: memref<6x8x1024xf32, #tpu.memory_space<vmem>>, %arg5: memref<6x1024x8xf32, #tpu.memory_space<vmem>>, %arg6: memref<6x8x1024xf32, #tpu.memory_space<vmem>>, %arg7: memref<6x1024x8xf32, #tpu.memory_space<vmem>>, %arg8: memref<6x8x1xf32, #tpu.memory_space<vmem>>, %arg9: memref<6x1024x1xf32, #tpu.memory_space<vmem>>, %arg10: memref<4x1024x160xf32, #tpu.memory_space<vmem>>, %arg11: memref<4x1024x160xf32, #tpu.memory_space<vmem>>, %arg12: memref<4x1024x160xf32, #tpu.memory_space<vmem>>, %arg13: memref<1x640xi32, #tpu.memory_space<vmem>>, %arg14: memref<2x640xi32, #tpu.memory_space<vmem>>, %arg15: memref<3x640xi32, #tpu.memory_space<vmem>>, %arg16: memref<8x640xf32, #tpu.memory_space<vmem>>) attributes {dimension_semantics = [], scalar_prefetch = 0 : i64, scratch_operands = 0 : i64, tpu.core_type = #tpu.core_type<tc>} {
    %get3A = arith.constant 0 : index
    %get3A_0 = arith.constant 0 : index
    %get3A_1 = vector.load %arg0[%get3A, %get3A_0] : memref<680x256xf32, #tpu.memory_space<vmem>>, vector<680x256xf32>
    %slice3A = vector.extract_strided_slice %get3A_1 {offsets = [8, 0], sizes = [160, 256], strides = [1, 1]} : vector<680x256xf32> to vector<160x256xf32>
    %slice3A_2 = vector.extract_strided_slice %get3A_1 {offsets = [176, 0], sizes = [160, 256], strides = [1, 1]} : vector<680x256xf32> to vector<160x256xf32>
    %slice3A_3 = vector.extract_strided_slice %get3A_1 {offsets = [344, 0], sizes = [160, 256], strides = [1, 1]} : vector<680x256xf32> to vector<160x256xf32>
    %slice3A_4 = vector.extract_strided_slice %get3A_1 {offsets = [512, 0], sizes = [160, 256], strides = [1, 1]} : vector<680x256xf32> to vector<160x256xf32>
    %concatenate3A = tpu.concatenate %slice3A, %slice3A_2, %slice3A_3, %slice3A_4 in 0 : vector<160x256xf32>, vector<160x256xf32>, vector<160x256xf32>, vector<160x256xf32> -> vector<640x256xf32>
    %get3A_5 = arith.constant 0 : index
    %get3A_6 = arith.constant 0 : index
    %get3A_7 = vector.load %arg2[%get3A_5, %get3A_6] : memref<1024x256xf32, #tpu.memory_space<vmem>>, vector<1024x256xf32>
    %transpose3A = tpu.transpose %concatenate3A, [1, 0] : vector<640x256xf32> -> vector<256x640xf32>
    %dot_general3A = arith.constant dense<0.000000e+00> : vector<1024x640xf32>
    %dot_general3A_8 = tpu.matmul %get3A_7, %transpose3A, %dot_general3A {dimension_numbers = #tpu.dot_dimension_numbers<[1], [0], [0], [1], [0, 0, 1, 1], [], []>, transpose_lhs_hint = false} : vector<1024x256xf32>, vector<256x640xf32>, vector<1024x640xf32> -> vector<1024x640xf32>
    %get3A_9 = arith.constant 0 : index
    %get3A_10 = arith.constant 0 : index
    %get3A_11 = vector.load %arg3[%get3A_9, %get3A_10] : memref<1024x1xf32, #tpu.memory_space<vmem>>, vector<1024x1xf32>
    %add3A = vector.broadcast %get3A_11 : vector<1024x1xf32> to vector<1024x640xf32>
    %add3A_12 = arith.addf %dot_general3A_8, %add3A : vector<1024x640xf32>
    %get3A_13 = arith.constant 0 : index
    %get3A_14 = arith.constant 0 : index
    %get3A_15 = arith.constant 0 : index
    %get3A_16 = vector.load %arg1[%get3A_13, %get3A_14, %get3A_15] : memref<4x1024x160xf32, #tpu.memory_space<vmem>>, vector<4x1024x160xf32>
    %slice3A_17 = vector.extract_strided_slice %get3A_16 {offsets = [0, 0, 0], sizes = [1, 1024, 160], strides = [1, 1, 1]} : vector<4x1024x160xf32> to vector<1x1024x160xf32>
    %squeeze3A = vector.shape_cast %slice3A_17 : vector<1x1024x160xf32> to vector<1024x160xf32>
    %slice3A_18 = vector.extract_strided_slice %get3A_16 {offsets = [1, 0, 0], sizes = [1, 1024, 160], strides = [1, 1, 1]} : vector<4x1024x160xf32> to vector<1x1024x160xf32>
    %squeeze3A_19 = vector.shape_cast %slice3A_18 : vector<1x1024x160xf32> to vector<1024x160xf32>
    %slice3A_20 = vector.extract_strided_slice %get3A_16 {offsets = [2, 0, 0], sizes = [1, 1024, 160], strides = [1, 1, 1]} : vector<4x1024x160xf32> to vector<1x1024x160xf32>
    %squeeze3A_21 = vector.shape_cast %slice3A_20 : vector<1x1024x160xf32> to vector<1024x160xf32>
    %slice3A_22 = vector.extract_strided_slice %get3A_16 {offsets = [3, 0, 0], sizes = [1, 1024, 160], strides = [1, 1, 1]} : vector<4x1024x160xf32> to vector<1x1024x160xf32>
    %squeeze3A_23 = vector.shape_cast %slice3A_22 : vector<1x1024x160xf32> to vector<1024x160xf32>
    %concatenate3A_24 = tpu.concatenate %squeeze3A, %squeeze3A_19, %squeeze3A_21, %squeeze3A_23 in 1 : vector<1024x160xf32>, vector<1024x160xf32>, vector<1024x160xf32>, vector<1024x160xf32> -> vector<1024x640xf32>
    %get3A_25 = arith.constant 0 : index
    %get3A_26 = arith.constant 0 : index
    %get3A_27 = arith.constant 0 : index
    %get3A_28 = vector.load %arg4[%get3A_25, %get3A_26, %get3A_27] : memref<6x8x1024xf32, #tpu.memory_space<vmem>>, vector<6x8x1024xf32>
    %get3A_29 = arith.constant 0 : index
    %get3A_30 = arith.constant 0 : index
    %get3A_31 = arith.constant 0 : index
    %get3A_32 = vector.load %arg5[%get3A_29, %get3A_30, %get3A_31] : memref<6x1024x8xf32, #tpu.memory_space<vmem>>, vector<6x1024x8xf32>
    %get3A_33 = arith.constant 0 : index
    %get3A_34 = arith.constant 0 : index
    %get3A_35 = arith.constant 0 : index
    %get3A_36 = vector.load %arg6[%get3A_33, %get3A_34, %get3A_35] : memref<6x8x1024xf32, #tpu.memory_space<vmem>>, vector<6x8x1024xf32>
    %get3A_37 = arith.constant 0 : index
    %get3A_38 = arith.constant 0 : index
    %get3A_39 = arith.constant 0 : index
    %get3A_40 = vector.load %arg7[%get3A_37, %get3A_38, %get3A_39] : memref<6x1024x8xf32, #tpu.memory_space<vmem>>, vector<6x1024x8xf32>
    %get3A_41 = arith.constant 0 : index
    %get3A_42 = arith.constant 0 : index
    %get3A_43 = arith.constant 0 : index
    %get3A_44 = vector.load %arg8[%get3A_41, %get3A_42, %get3A_43] : memref<6x8x1xf32, #tpu.memory_space<vmem>>, vector<6x8x1xf32>
    %get3A_45 = arith.constant 0 : index
    %get3A_46 = arith.constant 0 : index
    %get3A_47 = arith.constant 0 : index
    %get3A_48 = vector.load %arg9[%get3A_45, %get3A_46, %get3A_47] : memref<6x1024x1xf32, #tpu.memory_space<vmem>>, vector<6x1024x1xf32>
    %slice3A_49 = vector.extract_strided_slice %get3A_28 {offsets = [0, 0, 0], sizes = [1, 8, 1024], strides = [1, 1, 1]} : vector<6x8x1024xf32> to vector<1x8x1024xf32>
    %squeeze3A_50 = vector.shape_cast %slice3A_49 : vector<1x8x1024xf32> to vector<8x1024xf32>
    %dot_general3A_51 = arith.constant dense<0.000000e+00> : vector<8x640xf32>
    %dot_general3A_52 = tpu.matmul %squeeze3A_50, %add3A_12, %dot_general3A_51 {dimension_numbers = #tpu.dot_dimension_numbers<[1], [0], [0], [1], [0, 0, 1, 1], [], []>, transpose_lhs_hint = false} : vector<8x1024xf32>, vector<1024x640xf32>, vector<8x640xf32> -> vector<8x640xf32>
    %slice3A_53 = vector.extract_strided_slice %get3A_44 {offsets = [0, 0, 0], sizes = [1, 8, 1], strides = [1, 1, 1]} : vector<6x8x1xf32> to vector<1x8x1xf32>
    %squeeze3A_54 = vector.shape_cast %slice3A_53 : vector<1x8x1xf32> to vector<8x1xf32>
    %add3A_55 = vector.broadcast %squeeze3A_54 : vector<8x1xf32> to vector<8x640xf32>
    %add3A_56 = arith.addf %dot_general3A_52, %add3A_55 : vector<8x640xf32>
    %mul3A = arith.mulf %add3A_56, %add3A_56 : vector<8x640xf32>
    %reduce_sum3A = arith.constant dense<0.000000e+00> : vector<640xf32>
    %reduce_sum3A_57 = vector.multi_reduction <add>, %mul3A, %reduce_sum3A [0] : vector<8x640xf32> to vector<640xf32>
    %broadcast_in_dim3A = vector.shape_cast %reduce_sum3A_57 : vector<640xf32> to vector<1x640xf32>
    %sqrt3A = math.sqrt %broadcast_in_dim3A : vector<1x640xf32>
    %max3A = arith.constant 9.99999996E-13 : f32
    %max3A_58 = vector.broadcast %max3A : f32 to vector<1x640xf32>
    %max3A_59 = arith.maximumf %sqrt3A, %max3A_58 : vector<1x640xf32>
    %div3A = vector.broadcast %max3A_59 : vector<1x640xf32> to vector<8x640xf32>
    %div3A_60 = arith.divf %add3A_56, %div3A : vector<8x640xf32>
    %mul3A_61 = arith.mulf %div3A_60, %div3A_60 : vector<8x640xf32>
    %reduce_sum3A_62 = arith.constant dense<0.000000e+00> : vector<640xf32>
    %reduce_sum3A_63 = vector.multi_reduction <add>, %mul3A_61, %reduce_sum3A_62 [0] : vector<8x640xf32> to vector<640xf32>
    %broadcast_in_dim3A_64 = vector.shape_cast %reduce_sum3A_63 : vector<640xf32> to vector<1x640xf32>
    %slice3A_65 = vector.extract_strided_slice %get3A_32 {offsets = [0, 0, 0], sizes = [1, 1024, 8], strides = [1, 1, 1]} : vector<6x1024x8xf32> to vector<1x1024x8xf32>
    %squeeze3A_66 = vector.shape_cast %slice3A_65 : vector<1x1024x8xf32> to vector<1024x8xf32>
    %slice3A_67 = vector.extract_strided_slice %get3A_32 {offsets = [0, 0, 0], sizes = [1, 1024, 8], strides = [1, 1, 1]} : vector<6x1024x8xf32> to vector<1x1024x8xf32>
    %squeeze3A_68 = vector.shape_cast %slice3A_67 : vector<1x1024x8xf32> to vector<1024x8xf32>
    %slice3A_69 = vector.extract_strided_slice %get3A_32 {offsets = [0, 0, 0], sizes = [1, 1024, 8], strides = [1, 1, 1]} : vector<6x1024x8xf32> to vector<1x1024x8xf32>
    %squeeze3A_70 = vector.shape_cast %slice3A_69 : vector<1x1024x8xf32> to vector<1024x8xf32>
    %mul3A_71 = arith.mulf %squeeze3A_68, %squeeze3A_70 : vector<1024x8xf32>
    %reduce_sum3A_72 = arith.constant dense<0.000000e+00> : vector<1024xf32>
    %reduce_sum3A_73 = vector.multi_reduction <add>, %mul3A_71, %reduce_sum3A_72 [1] : vector<1024x8xf32> to vector<1024xf32>
    %broadcast_in_dim3A_74 = vector.shape_cast %reduce_sum3A_73 : vector<1024xf32> to vector<1024x1xf32>
    %sqrt3A_75 = math.sqrt %broadcast_in_dim3A_74 : vector<1024x1xf32>
    %max3A_76 = arith.constant 9.99999996E-13 : f32
    %max3A_77 = vector.broadcast %max3A_76 : f32 to vector<1024x1xf32>
    %max3A_78 = arith.maximumf %sqrt3A_75, %max3A_77 : vector<1024x1xf32>
    %div3A_79 = vector.broadcast %max3A_78 : vector<1024x1xf32> to vector<1024x8xf32>
    %div3A_80 = arith.divf %squeeze3A_66, %div3A_79 : vector<1024x8xf32>
    %mul3A_81 = arith.mulf %div3A_80, %div3A_80 : vector<1024x8xf32>
    %reduce_sum3A_82 = arith.constant dense<0.000000e+00> : vector<1024xf32>
    %reduce_sum3A_83 = vector.multi_reduction <add>, %mul3A_81, %reduce_sum3A_82 [1] : vector<1024x8xf32> to vector<1024xf32>
    %broadcast_in_dim3A_84 = vector.shape_cast %reduce_sum3A_83 : vector<1024xf32> to vector<1024x1xf32>
    %dot_general3A_85 = arith.constant dense<0.000000e+00> : vector<1024x640xf32>
    %dot_general3A_86 = tpu.matmul %div3A_80, %div3A_60, %dot_general3A_85 {dimension_numbers = #tpu.dot_dimension_numbers<[1], [0], [0], [1], [0, 0, 1, 1], [], []>, transpose_lhs_hint = false} : vector<1024x8xf32>, vector<8x640xf32>, vector<1024x640xf32> -> vector<1024x640xf32>
    %mul3A_87 = arith.constant 2.000000e+00 : f32
    %mul3A_88 = vector.broadcast %mul3A_87 : f32 to vector<1024x640xf32>
    %mul3A_89 = arith.mulf %mul3A_88, %dot_general3A_86 : vector<1024x640xf32>
    %sub3A = vector.broadcast %broadcast_in_dim3A_64 : vector<1x640xf32> to vector<1024x640xf32>
    %sub3A_90 = arith.subf %sub3A, %mul3A_89 : vector<1024x640xf32>
    %add3A_91 = vector.broadcast %broadcast_in_dim3A_84 : vector<1024x1xf32> to vector<1024x640xf32>
    %add3A_92 = arith.addf %sub3A_90, %add3A_91 : vector<1024x640xf32>
    %reduce_min3A = arith.constant dense<0x7F800000> : vector<640xf32>
    %reduce_min3A_93 = vector.multi_reduction <minimumf>, %add3A_92, %reduce_min3A [0] : vector<1024x640xf32> to vector<640xf32>
    %broadcast_in_dim3A_94 = vector.shape_cast %reduce_min3A_93 : vector<640xf32> to vector<1x640xf32>
    %iota3A = tpu.iota {dimensions = array<i32: 0>} : vector<1024x640xi32>
    %le3A = vector.broadcast %broadcast_in_dim3A_94 : vector<1x640xf32> to vector<1024x640xf32>
    %le3A_95 = arith.cmpf ole, %add3A_92, %le3A : vector<1024x640xf32>
    %jit3A = arith.constant 1073741824 : i32
    %broadcast_in_dim3A_96 = vector.broadcast %jit3A : i32 to vector<1024x640xi32>
    %select_n3A = arith.select %le3A_95, %iota3A, %broadcast_in_dim3A_96 : vector<1024x640xi1>, vector<1024x640xi32>
    %reduce_min3A_97 = arith.constant dense<2147483647> : vector<640xi32>
    %reduce_min3A_98 = vector.multi_reduction <minsi>, %select_n3A, %reduce_min3A_97 [0] : vector<1024x640xi32> to vector<640xi32>
    %broadcast_in_dim3A_99 = vector.shape_cast %reduce_min3A_98 : vector<640xi32> to vector<1x640xi32>
    %eq3A = vector.broadcast %broadcast_in_dim3A_99 : vector<1x640xi32> to vector<1024x640xi32>
    %eq3A_100 = arith.cmpi eq, %iota3A, %eq3A : vector<1024x640xi32>
    %convert_element_type3A = arith.extui %eq3A_100 : vector<1024x640xi1> to vector<1024x640xi32>
    %convert_element_type3A_101 = arith.sitofp %convert_element_type3A : vector<1024x640xi32> to vector<1024x640xf32>
    %slice3A_102 = vector.extract_strided_slice %get3A_36 {offsets = [0, 0, 0], sizes = [1, 8, 1024], strides = [1, 1, 1]} : vector<6x8x1024xf32> to vector<1x8x1024xf32>
    %squeeze3A_103 = vector.shape_cast %slice3A_102 : vector<1x8x1024xf32> to vector<8x1024xf32>
    %dot_general3A_104 = arith.constant dense<0.000000e+00> : vector<8x640xf32>
    %dot_general3A_105 = tpu.matmul %squeeze3A_103, %convert_element_type3A_101, %dot_general3A_104 {dimension_numbers = #tpu.dot_dimension_numbers<[1], [0], [0], [1], [0, 0, 1, 1], [], []>, precision = #tpu.contract_precision<fp32>, transpose_lhs_hint = false} : vector<8x1024xf32>, vector<1024x640xf32>, vector<8x640xf32> -> vector<8x640xf32>
    %sub3A_106 = arith.subf %dot_general3A_105, %add3A_56 : vector<8x640xf32>
    %add3A_107 = arith.addf %add3A_56, %sub3A_106 : vector<8x640xf32>
    %slice3A_108 = vector.extract_strided_slice %get3A_40 {offsets = [0, 0, 0], sizes = [1, 1024, 8], strides = [1, 1, 1]} : vector<6x1024x8xf32> to vector<1x1024x8xf32>
    %squeeze3A_109 = vector.shape_cast %slice3A_108 : vector<1x1024x8xf32> to vector<1024x8xf32>
    %dot_general3A_110 = arith.constant dense<0.000000e+00> : vector<1024x640xf32>
    %dot_general3A_111 = tpu.matmul %squeeze3A_109, %add3A_107, %dot_general3A_110 {dimension_numbers = #tpu.dot_dimension_numbers<[1], [0], [0], [1], [0, 0, 1, 1], [], []>, transpose_lhs_hint = false} : vector<1024x8xf32>, vector<8x640xf32>, vector<1024x640xf32> -> vector<1024x640xf32>
    %slice3A_112 = vector.extract_strided_slice %get3A_48 {offsets = [0, 0, 0], sizes = [1, 1024, 1], strides = [1, 1, 1]} : vector<6x1024x1xf32> to vector<1x1024x1xf32>
    %squeeze3A_113 = vector.shape_cast %slice3A_112 : vector<1x1024x1xf32> to vector<1024x1xf32>
    %add3A_114 = vector.broadcast %squeeze3A_113 : vector<1024x1xf32> to vector<1024x640xf32>
    %add3A_115 = arith.addf %dot_general3A_111, %add3A_114 : vector<1024x640xf32>
    %slice3A_116 = vector.extract_strided_slice %get3A_28 {offsets = [1, 0, 0], sizes = [1, 8, 1024], strides = [1, 1, 1]} : vector<6x8x1024xf32> to vector<1x8x1024xf32>
    %squeeze3A_117 = vector.shape_cast %slice3A_116 : vector<1x8x1024xf32> to vector<8x1024xf32>
    %dot_general3A_118 = arith.constant dense<0.000000e+00> : vector<8x640xf32>
    %dot_general3A_119 = tpu.matmul %squeeze3A_117, %concatenate3A_24, %dot_general3A_118 {dimension_numbers = #tpu.dot_dimension_numbers<[1], [0], [0], [1], [0, 0, 1, 1], [], []>, transpose_lhs_hint = false} : vector<8x1024xf32>, vector<1024x640xf32>, vector<8x640xf32> -> vector<8x640xf32>
    %slice3A_120 = vector.extract_strided_slice %get3A_44 {offsets = [1, 0, 0], sizes = [1, 8, 1], strides = [1, 1, 1]} : vector<6x8x1xf32> to vector<1x8x1xf32>
    %squeeze3A_121 = vector.shape_cast %slice3A_120 : vector<1x8x1xf32> to vector<8x1xf32>
    %add3A_122 = vector.broadcast %squeeze3A_121 : vector<8x1xf32> to vector<8x640xf32>
    %add3A_123 = arith.addf %dot_general3A_119, %add3A_122 : vector<8x640xf32>
    %mul3A_124 = arith.mulf %add3A_123, %add3A_123 : vector<8x640xf32>
    %reduce_sum3A_125 = arith.constant dense<0.000000e+00> : vector<640xf32>
    %reduce_sum3A_126 = vector.multi_reduction <add>, %mul3A_124, %reduce_sum3A_125 [0] : vector<8x640xf32> to vector<640xf32>
    %broadcast_in_dim3A_127 = vector.shape_cast %reduce_sum3A_126 : vector<640xf32> to vector<1x640xf32>
    %sqrt3A_128 = math.sqrt %broadcast_in_dim3A_127 : vector<1x640xf32>
    %max3A_129 = arith.constant 9.99999996E-13 : f32
    %max3A_130 = vector.broadcast %max3A_129 : f32 to vector<1x640xf32>
    %max3A_131 = arith.maximumf %sqrt3A_128, %max3A_130 : vector<1x640xf32>
    %div3A_132 = vector.broadcast %max3A_131 : vector<1x640xf32> to vector<8x640xf32>
    %div3A_133 = arith.divf %add3A_123, %div3A_132 : vector<8x640xf32>
    %mul3A_134 = arith.mulf %div3A_133, %div3A_133 : vector<8x640xf32>
    %reduce_sum3A_135 = arith.constant dense<0.000000e+00> : vector<640xf32>
    %reduce_sum3A_136 = vector.multi_reduction <add>, %mul3A_134, %reduce_sum3A_135 [0] : vector<8x640xf32> to vector<640xf32>
    %broadcast_in_dim3A_137 = vector.shape_cast %reduce_sum3A_136 : vector<640xf32> to vector<1x640xf32>
    %slice3A_138 = vector.extract_strided_slice %get3A_32 {offsets = [1, 0, 0], sizes = [1, 1024, 8], strides = [1, 1, 1]} : vector<6x1024x8xf32> to vector<1x1024x8xf32>
    %squeeze3A_139 = vector.shape_cast %slice3A_138 : vector<1x1024x8xf32> to vector<1024x8xf32>
    %slice3A_140 = vector.extract_strided_slice %get3A_32 {offsets = [1, 0, 0], sizes = [1, 1024, 8], strides = [1, 1, 1]} : vector<6x1024x8xf32> to vector<1x1024x8xf32>
    %squeeze3A_141 = vector.shape_cast %slice3A_140 : vector<1x1024x8xf32> to vector<1024x8xf32>
    %slice3A_142 = vector.extract_strided_slice %get3A_32 {offsets = [1, 0, 0], sizes = [1, 1024, 8], strides = [1, 1, 1]} : vector<6x1024x8xf32> to vector<1x1024x8xf32>
    %squeeze3A_143 = vector.shape_cast %slice3A_142 : vector<1x1024x8xf32> to vector<1024x8xf32>
    %mul3A_144 = arith.mulf %squeeze3A_141, %squeeze3A_143 : vector<1024x8xf32>
    %reduce_sum3A_145 = arith.constant dense<0.000000e+00> : vector<1024xf32>
    %reduce_sum3A_146 = vector.multi_reduction <add>, %mul3A_144, %reduce_sum3A_145 [1] : vector<1024x8xf32> to vector<1024xf32>
    %broadcast_in_dim3A_147 = vector.shape_cast %reduce_sum3A_146 : vector<1024xf32> to vector<1024x1xf32>
    %sqrt3A_148 = math.sqrt %broadcast_in_dim3A_147 : vector<1024x1xf32>
    %max3A_149 = arith.constant 9.99999996E-13 : f32
    %max3A_150 = vector.broadcast %max3A_149 : f32 to vector<1024x1xf32>
    %max3A_151 = arith.maximumf %sqrt3A_148, %max3A_150 : vector<1024x1xf32>
    %div3A_152 = vector.broadcast %max3A_151 : vector<1024x1xf32> to vector<1024x8xf32>
    %div3A_153 = arith.divf %squeeze3A_139, %div3A_152 : vector<1024x8xf32>
    %mul3A_154 = arith.mulf %div3A_153, %div3A_153 : vector<1024x8xf32>
    %reduce_sum3A_155 = arith.constant dense<0.000000e+00> : vector<1024xf32>
    %reduce_sum3A_156 = vector.multi_reduction <add>, %mul3A_154, %reduce_sum3A_155 [1] : vector<1024x8xf32> to vector<1024xf32>
    %broadcast_in_dim3A_157 = vector.shape_cast %reduce_sum3A_156 : vector<1024xf32> to vector<1024x1xf32>
    %dot_general3A_158 = arith.constant dense<0.000000e+00> : vector<1024x640xf32>
    %dot_general3A_159 = tpu.matmul %div3A_153, %div3A_133, %dot_general3A_158 {dimension_numbers = #tpu.dot_dimension_numbers<[1], [0], [0], [1], [0, 0, 1, 1], [], []>, transpose_lhs_hint = false} : vector<1024x8xf32>, vector<8x640xf32>, vector<1024x640xf32> -> vector<1024x640xf32>
    %mul3A_160 = arith.constant 2.000000e+00 : f32
    %mul3A_161 = vector.broadcast %mul3A_160 : f32 to vector<1024x640xf32>
    %mul3A_162 = arith.mulf %mul3A_161, %dot_general3A_159 : vector<1024x640xf32>
    %sub3A_163 = vector.broadcast %broadcast_in_dim3A_137 : vector<1x640xf32> to vector<1024x640xf32>
    %sub3A_164 = arith.subf %sub3A_163, %mul3A_162 : vector<1024x640xf32>
    %add3A_165 = vector.broadcast %broadcast_in_dim3A_157 : vector<1024x1xf32> to vector<1024x640xf32>
    %add3A_166 = arith.addf %sub3A_164, %add3A_165 : vector<1024x640xf32>
    %reduce_min3A_167 = arith.constant dense<0x7F800000> : vector<640xf32>
    %reduce_min3A_168 = vector.multi_reduction <minimumf>, %add3A_166, %reduce_min3A_167 [0] : vector<1024x640xf32> to vector<640xf32>
    %broadcast_in_dim3A_169 = vector.shape_cast %reduce_min3A_168 : vector<640xf32> to vector<1x640xf32>
    %iota3A_170 = tpu.iota {dimensions = array<i32: 0>} : vector<1024x640xi32>
    %le3A_171 = vector.broadcast %broadcast_in_dim3A_169 : vector<1x640xf32> to vector<1024x640xf32>
    %le3A_172 = arith.cmpf ole, %add3A_166, %le3A_171 : vector<1024x640xf32>
    %jit3A_173 = arith.constant 1073741824 : i32
    %broadcast_in_dim3A_174 = vector.broadcast %jit3A_173 : i32 to vector<1024x640xi32>
    %select_n3A_175 = arith.select %le3A_172, %iota3A_170, %broadcast_in_dim3A_174 : vector<1024x640xi1>, vector<1024x640xi32>
    %reduce_min3A_176 = arith.constant dense<2147483647> : vector<640xi32>
    %reduce_min3A_177 = vector.multi_reduction <minsi>, %select_n3A_175, %reduce_min3A_176 [0] : vector<1024x640xi32> to vector<640xi32>
    %broadcast_in_dim3A_178 = vector.shape_cast %reduce_min3A_177 : vector<640xi32> to vector<1x640xi32>
    %eq3A_179 = vector.broadcast %broadcast_in_dim3A_178 : vector<1x640xi32> to vector<1024x640xi32>
    %eq3A_180 = arith.cmpi eq, %iota3A_170, %eq3A_179 : vector<1024x640xi32>
    %convert_element_type3A_181 = arith.extui %eq3A_180 : vector<1024x640xi1> to vector<1024x640xi32>
    %convert_element_type3A_182 = arith.sitofp %convert_element_type3A_181 : vector<1024x640xi32> to vector<1024x640xf32>
    %slice3A_183 = vector.extract_strided_slice %get3A_36 {offsets = [1, 0, 0], sizes = [1, 8, 1024], strides = [1, 1, 1]} : vector<6x8x1024xf32> to vector<1x8x1024xf32>
    %squeeze3A_184 = vector.shape_cast %slice3A_183 : vector<1x8x1024xf32> to vector<8x1024xf32>
    %dot_general3A_185 = arith.constant dense<0.000000e+00> : vector<8x640xf32>
    %dot_general3A_186 = tpu.matmul %squeeze3A_184, %convert_element_type3A_182, %dot_general3A_185 {dimension_numbers = #tpu.dot_dimension_numbers<[1], [0], [0], [1], [0, 0, 1, 1], [], []>, precision = #tpu.contract_precision<fp32>, transpose_lhs_hint = false} : vector<8x1024xf32>, vector<1024x640xf32>, vector<8x640xf32> -> vector<8x640xf32>
    %sub3A_187 = arith.subf %dot_general3A_186, %add3A_123 : vector<8x640xf32>
    %add3A_188 = arith.addf %add3A_123, %sub3A_187 : vector<8x640xf32>
    %slice3A_189 = vector.extract_strided_slice %get3A_40 {offsets = [1, 0, 0], sizes = [1, 1024, 8], strides = [1, 1, 1]} : vector<6x1024x8xf32> to vector<1x1024x8xf32>
    %squeeze3A_190 = vector.shape_cast %slice3A_189 : vector<1x1024x8xf32> to vector<1024x8xf32>
    %dot_general3A_191 = arith.constant dense<0.000000e+00> : vector<1024x640xf32>
    %dot_general3A_192 = tpu.matmul %squeeze3A_190, %add3A_188, %dot_general3A_191 {dimension_numbers = #tpu.dot_dimension_numbers<[1], [0], [0], [1], [0, 0, 1, 1], [], []>, transpose_lhs_hint = false} : vector<1024x8xf32>, vector<8x640xf32>, vector<1024x640xf32> -> vector<1024x640xf32>
    %slice3A_193 = vector.extract_strided_slice %get3A_48 {offsets = [1, 0, 0], sizes = [1, 1024, 1], strides = [1, 1, 1]} : vector<6x1024x1xf32> to vector<1x1024x1xf32>
    %squeeze3A_194 = vector.shape_cast %slice3A_193 : vector<1x1024x1xf32> to vector<1024x1xf32>
    %add3A_195 = vector.broadcast %squeeze3A_194 : vector<1024x1xf32> to vector<1024x640xf32>
    %add3A_196 = arith.addf %dot_general3A_192, %add3A_195 : vector<1024x640xf32>
    %sub3A_197 = arith.subf %concatenate3A_24, %add3A_196 : vector<1024x640xf32>
    %slice3A_198 = vector.extract_strided_slice %get3A_28 {offsets = [2, 0, 0], sizes = [1, 8, 1024], strides = [1, 1, 1]} : vector<6x8x1024xf32> to vector<1x8x1024xf32>
    %squeeze3A_199 = vector.shape_cast %slice3A_198 : vector<1x8x1024xf32> to vector<8x1024xf32>
    %dot_general3A_200 = arith.constant dense<0.000000e+00> : vector<8x640xf32>
    %dot_general3A_201 = tpu.matmul %squeeze3A_199, %sub3A_197, %dot_general3A_200 {dimension_numbers = #tpu.dot_dimension_numbers<[1], [0], [0], [1], [0, 0, 1, 1], [], []>, transpose_lhs_hint = false} : vector<8x1024xf32>, vector<1024x640xf32>, vector<8x640xf32> -> vector<8x640xf32>
    %slice3A_202 = vector.extract_strided_slice %get3A_44 {offsets = [2, 0, 0], sizes = [1, 8, 1], strides = [1, 1, 1]} : vector<6x8x1xf32> to vector<1x8x1xf32>
    %squeeze3A_203 = vector.shape_cast %slice3A_202 : vector<1x8x1xf32> to vector<8x1xf32>
    %add3A_204 = vector.broadcast %squeeze3A_203 : vector<8x1xf32> to vector<8x640xf32>
    %add3A_205 = arith.addf %dot_general3A_201, %add3A_204 : vector<8x640xf32>
    %mul3A_206 = arith.mulf %add3A_205, %add3A_205 : vector<8x640xf32>
    %reduce_sum3A_207 = arith.constant dense<0.000000e+00> : vector<640xf32>
    %reduce_sum3A_208 = vector.multi_reduction <add>, %mul3A_206, %reduce_sum3A_207 [0] : vector<8x640xf32> to vector<640xf32>
    %broadcast_in_dim3A_209 = vector.shape_cast %reduce_sum3A_208 : vector<640xf32> to vector<1x640xf32>
    %sqrt3A_210 = math.sqrt %broadcast_in_dim3A_209 : vector<1x640xf32>
    %max3A_211 = arith.constant 9.99999996E-13 : f32
    %max3A_212 = vector.broadcast %max3A_211 : f32 to vector<1x640xf32>
    %max3A_213 = arith.maximumf %sqrt3A_210, %max3A_212 : vector<1x640xf32>
    %div3A_214 = vector.broadcast %max3A_213 : vector<1x640xf32> to vector<8x640xf32>
    %div3A_215 = arith.divf %add3A_205, %div3A_214 : vector<8x640xf32>
    %mul3A_216 = arith.mulf %div3A_215, %div3A_215 : vector<8x640xf32>
    %reduce_sum3A_217 = arith.constant dense<0.000000e+00> : vector<640xf32>
    %reduce_sum3A_218 = vector.multi_reduction <add>, %mul3A_216, %reduce_sum3A_217 [0] : vector<8x640xf32> to vector<640xf32>
    %broadcast_in_dim3A_219 = vector.shape_cast %reduce_sum3A_218 : vector<640xf32> to vector<1x640xf32>
    %slice3A_220 = vector.extract_strided_slice %get3A_32 {offsets = [2, 0, 0], sizes = [1, 1024, 8], strides = [1, 1, 1]} : vector<6x1024x8xf32> to vector<1x1024x8xf32>
    %squeeze3A_221 = vector.shape_cast %slice3A_220 : vector<1x1024x8xf32> to vector<1024x8xf32>
    %slice3A_222 = vector.extract_strided_slice %get3A_32 {offsets = [2, 0, 0], sizes = [1, 1024, 8], strides = [1, 1, 1]} : vector<6x1024x8xf32> to vector<1x1024x8xf32>
    %squeeze3A_223 = vector.shape_cast %slice3A_222 : vector<1x1024x8xf32> to vector<1024x8xf32>
    %slice3A_224 = vector.extract_strided_slice %get3A_32 {offsets = [2, 0, 0], sizes = [1, 1024, 8], strides = [1, 1, 1]} : vector<6x1024x8xf32> to vector<1x1024x8xf32>
    %squeeze3A_225 = vector.shape_cast %slice3A_224 : vector<1x1024x8xf32> to vector<1024x8xf32>
    %mul3A_226 = arith.mulf %squeeze3A_223, %squeeze3A_225 : vector<1024x8xf32>
    %reduce_sum3A_227 = arith.constant dense<0.000000e+00> : vector<1024xf32>
    %reduce_sum3A_228 = vector.multi_reduction <add>, %mul3A_226, %reduce_sum3A_227 [1] : vector<1024x8xf32> to vector<1024xf32>
    %broadcast_in_dim3A_229 = vector.shape_cast %reduce_sum3A_228 : vector<1024xf32> to vector<1024x1xf32>
    %sqrt3A_230 = math.sqrt %broadcast_in_dim3A_229 : vector<1024x1xf32>
    %max3A_231 = arith.constant 9.99999996E-13 : f32
    %max3A_232 = vector.broadcast %max3A_231 : f32 to vector<1024x1xf32>
    %max3A_233 = arith.maximumf %sqrt3A_230, %max3A_232 : vector<1024x1xf32>
    %div3A_234 = vector.broadcast %max3A_233 : vector<1024x1xf32> to vector<1024x8xf32>
    %div3A_235 = arith.divf %squeeze3A_221, %div3A_234 : vector<1024x8xf32>
    %mul3A_236 = arith.mulf %div3A_235, %div3A_235 : vector<1024x8xf32>
    %reduce_sum3A_237 = arith.constant dense<0.000000e+00> : vector<1024xf32>
    %reduce_sum3A_238 = vector.multi_reduction <add>, %mul3A_236, %reduce_sum3A_237 [1] : vector<1024x8xf32> to vector<1024xf32>
    %broadcast_in_dim3A_239 = vector.shape_cast %reduce_sum3A_238 : vector<1024xf32> to vector<1024x1xf32>
    %dot_general3A_240 = arith.constant dense<0.000000e+00> : vector<1024x640xf32>
    %dot_general3A_241 = tpu.matmul %div3A_235, %div3A_215, %dot_general3A_240 {dimension_numbers = #tpu.dot_dimension_numbers<[1], [0], [0], [1], [0, 0, 1, 1], [], []>, transpose_lhs_hint = false} : vector<1024x8xf32>, vector<8x640xf32>, vector<1024x640xf32> -> vector<1024x640xf32>
    %mul3A_242 = arith.constant 2.000000e+00 : f32
    %mul3A_243 = vector.broadcast %mul3A_242 : f32 to vector<1024x640xf32>
    %mul3A_244 = arith.mulf %mul3A_243, %dot_general3A_241 : vector<1024x640xf32>
    %sub3A_245 = vector.broadcast %broadcast_in_dim3A_219 : vector<1x640xf32> to vector<1024x640xf32>
    %sub3A_246 = arith.subf %sub3A_245, %mul3A_244 : vector<1024x640xf32>
    %add3A_247 = vector.broadcast %broadcast_in_dim3A_239 : vector<1024x1xf32> to vector<1024x640xf32>
    %add3A_248 = arith.addf %sub3A_246, %add3A_247 : vector<1024x640xf32>
    %reduce_min3A_249 = arith.constant dense<0x7F800000> : vector<640xf32>
    %reduce_min3A_250 = vector.multi_reduction <minimumf>, %add3A_248, %reduce_min3A_249 [0] : vector<1024x640xf32> to vector<640xf32>
    %broadcast_in_dim3A_251 = vector.shape_cast %reduce_min3A_250 : vector<640xf32> to vector<1x640xf32>
    %iota3A_252 = tpu.iota {dimensions = array<i32: 0>} : vector<1024x640xi32>
    %le3A_253 = vector.broadcast %broadcast_in_dim3A_251 : vector<1x640xf32> to vector<1024x640xf32>
    %le3A_254 = arith.cmpf ole, %add3A_248, %le3A_253 : vector<1024x640xf32>
    %jit3A_255 = arith.constant 1073741824 : i32
    %broadcast_in_dim3A_256 = vector.broadcast %jit3A_255 : i32 to vector<1024x640xi32>
    %select_n3A_257 = arith.select %le3A_254, %iota3A_252, %broadcast_in_dim3A_256 : vector<1024x640xi1>, vector<1024x640xi32>
    %reduce_min3A_258 = arith.constant dense<2147483647> : vector<640xi32>
    %reduce_min3A_259 = vector.multi_reduction <minsi>, %select_n3A_257, %reduce_min3A_258 [0] : vector<1024x640xi32> to vector<640xi32>
    %broadcast_in_dim3A_260 = vector.shape_cast %reduce_min3A_259 : vector<640xi32> to vector<1x640xi32>
    %eq3A_261 = vector.broadcast %broadcast_in_dim3A_260 : vector<1x640xi32> to vector<1024x640xi32>
    %eq3A_262 = arith.cmpi eq, %iota3A_252, %eq3A_261 : vector<1024x640xi32>
    %convert_element_type3A_263 = arith.extui %eq3A_262 : vector<1024x640xi1> to vector<1024x640xi32>
    %convert_element_type3A_264 = arith.sitofp %convert_element_type3A_263 : vector<1024x640xi32> to vector<1024x640xf32>
    %slice3A_265 = vector.extract_strided_slice %get3A_36 {offsets = [2, 0, 0], sizes = [1, 8, 1024], strides = [1, 1, 1]} : vector<6x8x1024xf32> to vector<1x8x1024xf32>
    %squeeze3A_266 = vector.shape_cast %slice3A_265 : vector<1x8x1024xf32> to vector<8x1024xf32>
    %dot_general3A_267 = arith.constant dense<0.000000e+00> : vector<8x640xf32>
    %dot_general3A_268 = tpu.matmul %squeeze3A_266, %convert_element_type3A_264, %dot_general3A_267 {dimension_numbers = #tpu.dot_dimension_numbers<[1], [0], [0], [1], [0, 0, 1, 1], [], []>, precision = #tpu.contract_precision<fp32>, transpose_lhs_hint = false} : vector<8x1024xf32>, vector<1024x640xf32>, vector<8x640xf32> -> vector<8x640xf32>
    %sub3A_269 = arith.subf %dot_general3A_268, %add3A_205 : vector<8x640xf32>
    %add3A_270 = arith.addf %add3A_205, %sub3A_269 : vector<8x640xf32>
    %slice3A_271 = vector.extract_strided_slice %get3A_40 {offsets = [2, 0, 0], sizes = [1, 1024, 8], strides = [1, 1, 1]} : vector<6x1024x8xf32> to vector<1x1024x8xf32>
    %squeeze3A_272 = vector.shape_cast %slice3A_271 : vector<1x1024x8xf32> to vector<1024x8xf32>
    %dot_general3A_273 = arith.constant dense<0.000000e+00> : vector<1024x640xf32>
    %dot_general3A_274 = tpu.matmul %squeeze3A_272, %add3A_270, %dot_general3A_273 {dimension_numbers = #tpu.dot_dimension_numbers<[1], [0], [0], [1], [0, 0, 1, 1], [], []>, transpose_lhs_hint = false} : vector<1024x8xf32>, vector<8x640xf32>, vector<1024x640xf32> -> vector<1024x640xf32>
    %slice3A_275 = vector.extract_strided_slice %get3A_48 {offsets = [2, 0, 0], sizes = [1, 1024, 1], strides = [1, 1, 1]} : vector<6x1024x1xf32> to vector<1x1024x1xf32>
    %squeeze3A_276 = vector.shape_cast %slice3A_275 : vector<1x1024x1xf32> to vector<1024x1xf32>
    %add3A_277 = vector.broadcast %squeeze3A_276 : vector<1024x1xf32> to vector<1024x640xf32>
    %add3A_278 = arith.addf %dot_general3A_274, %add3A_277 : vector<1024x640xf32>
    %add3A_279 = arith.addf %add3A_196, %add3A_278 : vector<1024x640xf32>
    %sub3A_280 = arith.subf %concatenate3A_24, %add3A_115 : vector<1024x640xf32>
    %sub3A_281 = arith.subf %sub3A_280, %add3A_279 : vector<1024x640xf32>
    %slice3A_282 = vector.extract_strided_slice %get3A_28 {offsets = [3, 0, 0], sizes = [1, 8, 1024], strides = [1, 1, 1]} : vector<6x8x1024xf32> to vector<1x8x1024xf32>
    %squeeze3A_283 = vector.shape_cast %slice3A_282 : vector<1x8x1024xf32> to vector<8x1024xf32>
    %dot_general3A_284 = arith.constant dense<0.000000e+00> : vector<8x640xf32>
    %dot_general3A_285 = tpu.matmul %squeeze3A_283, %sub3A_281, %dot_general3A_284 {dimension_numbers = #tpu.dot_dimension_numbers<[1], [0], [0], [1], [0, 0, 1, 1], [], []>, transpose_lhs_hint = false} : vector<8x1024xf32>, vector<1024x640xf32>, vector<8x640xf32> -> vector<8x640xf32>
    %slice3A_286 = vector.extract_strided_slice %get3A_44 {offsets = [3, 0, 0], sizes = [1, 8, 1], strides = [1, 1, 1]} : vector<6x8x1xf32> to vector<1x8x1xf32>
    %squeeze3A_287 = vector.shape_cast %slice3A_286 : vector<1x8x1xf32> to vector<8x1xf32>
    %add3A_288 = vector.broadcast %squeeze3A_287 : vector<8x1xf32> to vector<8x640xf32>
    %add3A_289 = arith.addf %dot_general3A_285, %add3A_288 : vector<8x640xf32>
    %mul3A_290 = arith.mulf %add3A_289, %add3A_289 : vector<8x640xf32>
    %reduce_sum3A_291 = arith.constant dense<0.000000e+00> : vector<640xf32>
    %reduce_sum3A_292 = vector.multi_reduction <add>, %mul3A_290, %reduce_sum3A_291 [0] : vector<8x640xf32> to vector<640xf32>
    %broadcast_in_dim3A_293 = vector.shape_cast %reduce_sum3A_292 : vector<640xf32> to vector<1x640xf32>
    %sqrt3A_294 = math.sqrt %broadcast_in_dim3A_293 : vector<1x640xf32>
    %max3A_295 = arith.constant 9.99999996E-13 : f32
    %max3A_296 = vector.broadcast %max3A_295 : f32 to vector<1x640xf32>
    %max3A_297 = arith.maximumf %sqrt3A_294, %max3A_296 : vector<1x640xf32>
    %div3A_298 = vector.broadcast %max3A_297 : vector<1x640xf32> to vector<8x640xf32>
    %div3A_299 = arith.divf %add3A_289, %div3A_298 : vector<8x640xf32>
    %mul3A_300 = arith.mulf %div3A_299, %div3A_299 : vector<8x640xf32>
    %reduce_sum3A_301 = arith.constant dense<0.000000e+00> : vector<640xf32>
    %reduce_sum3A_302 = vector.multi_reduction <add>, %mul3A_300, %reduce_sum3A_301 [0] : vector<8x640xf32> to vector<640xf32>
    %broadcast_in_dim3A_303 = vector.shape_cast %reduce_sum3A_302 : vector<640xf32> to vector<1x640xf32>
    %slice3A_304 = vector.extract_strided_slice %get3A_32 {offsets = [3, 0, 0], sizes = [1, 1024, 8], strides = [1, 1, 1]} : vector<6x1024x8xf32> to vector<1x1024x8xf32>
    %squeeze3A_305 = vector.shape_cast %slice3A_304 : vector<1x1024x8xf32> to vector<1024x8xf32>
    %slice3A_306 = vector.extract_strided_slice %get3A_32 {offsets = [3, 0, 0], sizes = [1, 1024, 8], strides = [1, 1, 1]} : vector<6x1024x8xf32> to vector<1x1024x8xf32>
    %squeeze3A_307 = vector.shape_cast %slice3A_306 : vector<1x1024x8xf32> to vector<1024x8xf32>
    %slice3A_308 = vector.extract_strided_slice %get3A_32 {offsets = [3, 0, 0], sizes = [1, 1024, 8], strides = [1, 1, 1]} : vector<6x1024x8xf32> to vector<1x1024x8xf32>
    %squeeze3A_309 = vector.shape_cast %slice3A_308 : vector<1x1024x8xf32> to vector<1024x8xf32>
    %mul3A_310 = arith.mulf %squeeze3A_307, %squeeze3A_309 : vector<1024x8xf32>
    %reduce_sum3A_311 = arith.constant dense<0.000000e+00> : vector<1024xf32>
    %reduce_sum3A_312 = vector.multi_reduction <add>, %mul3A_310, %reduce_sum3A_311 [1] : vector<1024x8xf32> to vector<1024xf32>
    %broadcast_in_dim3A_313 = vector.shape_cast %reduce_sum3A_312 : vector<1024xf32> to vector<1024x1xf32>
    %sqrt3A_314 = math.sqrt %broadcast_in_dim3A_313 : vector<1024x1xf32>
    %max3A_315 = arith.constant 9.99999996E-13 : f32
    %max3A_316 = vector.broadcast %max3A_315 : f32 to vector<1024x1xf32>
    %max3A_317 = arith.maximumf %sqrt3A_314, %max3A_316 : vector<1024x1xf32>
    %div3A_318 = vector.broadcast %max3A_317 : vector<1024x1xf32> to vector<1024x8xf32>
    %div3A_319 = arith.divf %squeeze3A_305, %div3A_318 : vector<1024x8xf32>
    %mul3A_320 = arith.mulf %div3A_319, %div3A_319 : vector<1024x8xf32>
    %reduce_sum3A_321 = arith.constant dense<0.000000e+00> : vector<1024xf32>
    %reduce_sum3A_322 = vector.multi_reduction <add>, %mul3A_320, %reduce_sum3A_321 [1] : vector<1024x8xf32> to vector<1024xf32>
    %broadcast_in_dim3A_323 = vector.shape_cast %reduce_sum3A_322 : vector<1024xf32> to vector<1024x1xf32>
    %dot_general3A_324 = arith.constant dense<0.000000e+00> : vector<1024x640xf32>
    %dot_general3A_325 = tpu.matmul %div3A_319, %div3A_299, %dot_general3A_324 {dimension_numbers = #tpu.dot_dimension_numbers<[1], [0], [0], [1], [0, 0, 1, 1], [], []>, transpose_lhs_hint = false} : vector<1024x8xf32>, vector<8x640xf32>, vector<1024x640xf32> -> vector<1024x640xf32>
    %mul3A_326 = arith.constant 2.000000e+00 : f32
    %mul3A_327 = vector.broadcast %mul3A_326 : f32 to vector<1024x640xf32>
    %mul3A_328 = arith.mulf %mul3A_327, %dot_general3A_325 : vector<1024x640xf32>
    %sub3A_329 = vector.broadcast %broadcast_in_dim3A_303 : vector<1x640xf32> to vector<1024x640xf32>
    %sub3A_330 = arith.subf %sub3A_329, %mul3A_328 : vector<1024x640xf32>
    %add3A_331 = vector.broadcast %broadcast_in_dim3A_323 : vector<1024x1xf32> to vector<1024x640xf32>
    %add3A_332 = arith.addf %sub3A_330, %add3A_331 : vector<1024x640xf32>
    %reduce_min3A_333 = arith.constant dense<0x7F800000> : vector<640xf32>
    %reduce_min3A_334 = vector.multi_reduction <minimumf>, %add3A_332, %reduce_min3A_333 [0] : vector<1024x640xf32> to vector<640xf32>
    %broadcast_in_dim3A_335 = vector.shape_cast %reduce_min3A_334 : vector<640xf32> to vector<1x640xf32>
    %iota3A_336 = tpu.iota {dimensions = array<i32: 0>} : vector<1024x640xi32>
    %le3A_337 = vector.broadcast %broadcast_in_dim3A_335 : vector<1x640xf32> to vector<1024x640xf32>
    %le3A_338 = arith.cmpf ole, %add3A_332, %le3A_337 : vector<1024x640xf32>
    %jit3A_339 = arith.constant 1073741824 : i32
    %broadcast_in_dim3A_340 = vector.broadcast %jit3A_339 : i32 to vector<1024x640xi32>
    %select_n3A_341 = arith.select %le3A_338, %iota3A_336, %broadcast_in_dim3A_340 : vector<1024x640xi1>, vector<1024x640xi32>
    %reduce_min3A_342 = arith.constant dense<2147483647> : vector<640xi32>
    %reduce_min3A_343 = vector.multi_reduction <minsi>, %select_n3A_341, %reduce_min3A_342 [0] : vector<1024x640xi32> to vector<640xi32>
    %broadcast_in_dim3A_344 = vector.shape_cast %reduce_min3A_343 : vector<640xi32> to vector<1x640xi32>
    %eq3A_345 = vector.broadcast %broadcast_in_dim3A_344 : vector<1x640xi32> to vector<1024x640xi32>
    %eq3A_346 = arith.cmpi eq, %iota3A_336, %eq3A_345 : vector<1024x640xi32>
    %convert_element_type3A_347 = arith.extui %eq3A_346 : vector<1024x640xi1> to vector<1024x640xi32>
    %convert_element_type3A_348 = arith.sitofp %convert_element_type3A_347 : vector<1024x640xi32> to vector<1024x640xf32>
    %slice3A_349 = vector.extract_strided_slice %get3A_36 {offsets = [3, 0, 0], sizes = [1, 8, 1024], strides = [1, 1, 1]} : vector<6x8x1024xf32> to vector<1x8x1024xf32>
    %squeeze3A_350 = vector.shape_cast %slice3A_349 : vector<1x8x1024xf32> to vector<8x1024xf32>
    %dot_general3A_351 = arith.constant dense<0.000000e+00> : vector<8x640xf32>
    %dot_general3A_352 = tpu.matmul %squeeze3A_350, %convert_element_type3A_348, %dot_general3A_351 {dimension_numbers = #tpu.dot_dimension_numbers<[1], [0], [0], [1], [0, 0, 1, 1], [], []>, precision = #tpu.contract_precision<fp32>, transpose_lhs_hint = false} : vector<8x1024xf32>, vector<1024x640xf32>, vector<8x640xf32> -> vector<8x640xf32>
    %sub3A_353 = arith.subf %dot_general3A_352, %add3A_289 : vector<8x640xf32>
    %add3A_354 = arith.addf %add3A_289, %sub3A_353 : vector<8x640xf32>
    %slice3A_355 = vector.extract_strided_slice %get3A_40 {offsets = [3, 0, 0], sizes = [1, 1024, 8], strides = [1, 1, 1]} : vector<6x1024x8xf32> to vector<1x1024x8xf32>
    %squeeze3A_356 = vector.shape_cast %slice3A_355 : vector<1x1024x8xf32> to vector<1024x8xf32>
    %dot_general3A_357 = arith.constant dense<0.000000e+00> : vector<1024x640xf32>
    %dot_general3A_358 = tpu.matmul %squeeze3A_356, %add3A_354, %dot_general3A_357 {dimension_numbers = #tpu.dot_dimension_numbers<[1], [0], [0], [1], [0, 0, 1, 1], [], []>, transpose_lhs_hint = false} : vector<1024x8xf32>, vector<8x640xf32>, vector<1024x640xf32> -> vector<1024x640xf32>
    %slice3A_359 = vector.extract_strided_slice %get3A_48 {offsets = [3, 0, 0], sizes = [1, 1024, 1], strides = [1, 1, 1]} : vector<6x1024x1xf32> to vector<1x1024x1xf32>
    %squeeze3A_360 = vector.shape_cast %slice3A_359 : vector<1x1024x1xf32> to vector<1024x1xf32>
    %add3A_361 = vector.broadcast %squeeze3A_360 : vector<1024x1xf32> to vector<1024x640xf32>
    %add3A_362 = arith.addf %dot_general3A_358, %add3A_361 : vector<1024x640xf32>
    %sub3A_363 = arith.subf %sub3A_281, %add3A_362 : vector<1024x640xf32>
    %slice3A_364 = vector.extract_strided_slice %get3A_28 {offsets = [4, 0, 0], sizes = [1, 8, 1024], strides = [1, 1, 1]} : vector<6x8x1024xf32> to vector<1x8x1024xf32>
    %squeeze3A_365 = vector.shape_cast %slice3A_364 : vector<1x8x1024xf32> to vector<8x1024xf32>
    %dot_general3A_366 = arith.constant dense<0.000000e+00> : vector<8x640xf32>
    %dot_general3A_367 = tpu.matmul %squeeze3A_365, %sub3A_363, %dot_general3A_366 {dimension_numbers = #tpu.dot_dimension_numbers<[1], [0], [0], [1], [0, 0, 1, 1], [], []>, transpose_lhs_hint = false} : vector<8x1024xf32>, vector<1024x640xf32>, vector<8x640xf32> -> vector<8x640xf32>
    %slice3A_368 = vector.extract_strided_slice %get3A_44 {offsets = [4, 0, 0], sizes = [1, 8, 1], strides = [1, 1, 1]} : vector<6x8x1xf32> to vector<1x8x1xf32>
    %squeeze3A_369 = vector.shape_cast %slice3A_368 : vector<1x8x1xf32> to vector<8x1xf32>
    %add3A_370 = vector.broadcast %squeeze3A_369 : vector<8x1xf32> to vector<8x640xf32>
    %add3A_371 = arith.addf %dot_general3A_367, %add3A_370 : vector<8x640xf32>
    %mul3A_372 = arith.mulf %add3A_371, %add3A_371 : vector<8x640xf32>
    %reduce_sum3A_373 = arith.constant dense<0.000000e+00> : vector<640xf32>
    %reduce_sum3A_374 = vector.multi_reduction <add>, %mul3A_372, %reduce_sum3A_373 [0] : vector<8x640xf32> to vector<640xf32>
    %broadcast_in_dim3A_375 = vector.shape_cast %reduce_sum3A_374 : vector<640xf32> to vector<1x640xf32>
    %sqrt3A_376 = math.sqrt %broadcast_in_dim3A_375 : vector<1x640xf32>
    %max3A_377 = arith.constant 9.99999996E-13 : f32
    %max3A_378 = vector.broadcast %max3A_377 : f32 to vector<1x640xf32>
    %max3A_379 = arith.maximumf %sqrt3A_376, %max3A_378 : vector<1x640xf32>
    %div3A_380 = vector.broadcast %max3A_379 : vector<1x640xf32> to vector<8x640xf32>
    %div3A_381 = arith.divf %add3A_371, %div3A_380 : vector<8x640xf32>
    %mul3A_382 = arith.mulf %div3A_381, %div3A_381 : vector<8x640xf32>
    %reduce_sum3A_383 = arith.constant dense<0.000000e+00> : vector<640xf32>
    %reduce_sum3A_384 = vector.multi_reduction <add>, %mul3A_382, %reduce_sum3A_383 [0] : vector<8x640xf32> to vector<640xf32>
    %broadcast_in_dim3A_385 = vector.shape_cast %reduce_sum3A_384 : vector<640xf32> to vector<1x640xf32>
    %slice3A_386 = vector.extract_strided_slice %get3A_32 {offsets = [4, 0, 0], sizes = [1, 1024, 8], strides = [1, 1, 1]} : vector<6x1024x8xf32> to vector<1x1024x8xf32>
    %squeeze3A_387 = vector.shape_cast %slice3A_386 : vector<1x1024x8xf32> to vector<1024x8xf32>
    %slice3A_388 = vector.extract_strided_slice %get3A_32 {offsets = [4, 0, 0], sizes = [1, 1024, 8], strides = [1, 1, 1]} : vector<6x1024x8xf32> to vector<1x1024x8xf32>
    %squeeze3A_389 = vector.shape_cast %slice3A_388 : vector<1x1024x8xf32> to vector<1024x8xf32>
    %slice3A_390 = vector.extract_strided_slice %get3A_32 {offsets = [4, 0, 0], sizes = [1, 1024, 8], strides = [1, 1, 1]} : vector<6x1024x8xf32> to vector<1x1024x8xf32>
    %squeeze3A_391 = vector.shape_cast %slice3A_390 : vector<1x1024x8xf32> to vector<1024x8xf32>
    %mul3A_392 = arith.mulf %squeeze3A_389, %squeeze3A_391 : vector<1024x8xf32>
    %reduce_sum3A_393 = arith.constant dense<0.000000e+00> : vector<1024xf32>
    %reduce_sum3A_394 = vector.multi_reduction <add>, %mul3A_392, %reduce_sum3A_393 [1] : vector<1024x8xf32> to vector<1024xf32>
    %broadcast_in_dim3A_395 = vector.shape_cast %reduce_sum3A_394 : vector<1024xf32> to vector<1024x1xf32>
    %sqrt3A_396 = math.sqrt %broadcast_in_dim3A_395 : vector<1024x1xf32>
    %max3A_397 = arith.constant 9.99999996E-13 : f32
    %max3A_398 = vector.broadcast %max3A_397 : f32 to vector<1024x1xf32>
    %max3A_399 = arith.maximumf %sqrt3A_396, %max3A_398 : vector<1024x1xf32>
    %div3A_400 = vector.broadcast %max3A_399 : vector<1024x1xf32> to vector<1024x8xf32>
    %div3A_401 = arith.divf %squeeze3A_387, %div3A_400 : vector<1024x8xf32>
    %mul3A_402 = arith.mulf %div3A_401, %div3A_401 : vector<1024x8xf32>
    %reduce_sum3A_403 = arith.constant dense<0.000000e+00> : vector<1024xf32>
    %reduce_sum3A_404 = vector.multi_reduction <add>, %mul3A_402, %reduce_sum3A_403 [1] : vector<1024x8xf32> to vector<1024xf32>
    %broadcast_in_dim3A_405 = vector.shape_cast %reduce_sum3A_404 : vector<1024xf32> to vector<1024x1xf32>
    %dot_general3A_406 = arith.constant dense<0.000000e+00> : vector<1024x640xf32>
    %dot_general3A_407 = tpu.matmul %div3A_401, %div3A_381, %dot_general3A_406 {dimension_numbers = #tpu.dot_dimension_numbers<[1], [0], [0], [1], [0, 0, 1, 1], [], []>, transpose_lhs_hint = false} : vector<1024x8xf32>, vector<8x640xf32>, vector<1024x640xf32> -> vector<1024x640xf32>
    %mul3A_408 = arith.constant 2.000000e+00 : f32
    %mul3A_409 = vector.broadcast %mul3A_408 : f32 to vector<1024x640xf32>
    %mul3A_410 = arith.mulf %mul3A_409, %dot_general3A_407 : vector<1024x640xf32>
    %sub3A_411 = vector.broadcast %broadcast_in_dim3A_385 : vector<1x640xf32> to vector<1024x640xf32>
    %sub3A_412 = arith.subf %sub3A_411, %mul3A_410 : vector<1024x640xf32>
    %add3A_413 = vector.broadcast %broadcast_in_dim3A_405 : vector<1024x1xf32> to vector<1024x640xf32>
    %add3A_414 = arith.addf %sub3A_412, %add3A_413 : vector<1024x640xf32>
    %reduce_min3A_415 = arith.constant dense<0x7F800000> : vector<640xf32>
    %reduce_min3A_416 = vector.multi_reduction <minimumf>, %add3A_414, %reduce_min3A_415 [0] : vector<1024x640xf32> to vector<640xf32>
    %broadcast_in_dim3A_417 = vector.shape_cast %reduce_min3A_416 : vector<640xf32> to vector<1x640xf32>
    %iota3A_418 = tpu.iota {dimensions = array<i32: 0>} : vector<1024x640xi32>
    %le3A_419 = vector.broadcast %broadcast_in_dim3A_417 : vector<1x640xf32> to vector<1024x640xf32>
    %le3A_420 = arith.cmpf ole, %add3A_414, %le3A_419 : vector<1024x640xf32>
    %jit3A_421 = arith.constant 1073741824 : i32
    %broadcast_in_dim3A_422 = vector.broadcast %jit3A_421 : i32 to vector<1024x640xi32>
    %select_n3A_423 = arith.select %le3A_420, %iota3A_418, %broadcast_in_dim3A_422 : vector<1024x640xi1>, vector<1024x640xi32>
    %reduce_min3A_424 = arith.constant dense<2147483647> : vector<640xi32>
    %reduce_min3A_425 = vector.multi_reduction <minsi>, %select_n3A_423, %reduce_min3A_424 [0] : vector<1024x640xi32> to vector<640xi32>
    %broadcast_in_dim3A_426 = vector.shape_cast %reduce_min3A_425 : vector<640xi32> to vector<1x640xi32>
    %eq3A_427 = vector.broadcast %broadcast_in_dim3A_426 : vector<1x640xi32> to vector<1024x640xi32>
    %eq3A_428 = arith.cmpi eq, %iota3A_418, %eq3A_427 : vector<1024x640xi32>
    %convert_element_type3A_429 = arith.extui %eq3A_428 : vector<1024x640xi1> to vector<1024x640xi32>
    %convert_element_type3A_430 = arith.sitofp %convert_element_type3A_429 : vector<1024x640xi32> to vector<1024x640xf32>
    %slice3A_431 = vector.extract_strided_slice %get3A_36 {offsets = [4, 0, 0], sizes = [1, 8, 1024], strides = [1, 1, 1]} : vector<6x8x1024xf32> to vector<1x8x1024xf32>
    %squeeze3A_432 = vector.shape_cast %slice3A_431 : vector<1x8x1024xf32> to vector<8x1024xf32>
    %dot_general3A_433 = arith.constant dense<0.000000e+00> : vector<8x640xf32>
    %dot_general3A_434 = tpu.matmul %squeeze3A_432, %convert_element_type3A_430, %dot_general3A_433 {dimension_numbers = #tpu.dot_dimension_numbers<[1], [0], [0], [1], [0, 0, 1, 1], [], []>, precision = #tpu.contract_precision<fp32>, transpose_lhs_hint = false} : vector<8x1024xf32>, vector<1024x640xf32>, vector<8x640xf32> -> vector<8x640xf32>
    %sub3A_435 = arith.subf %dot_general3A_434, %add3A_371 : vector<8x640xf32>
    %add3A_436 = arith.addf %add3A_371, %sub3A_435 : vector<8x640xf32>
    %slice3A_437 = vector.extract_strided_slice %get3A_40 {offsets = [4, 0, 0], sizes = [1, 1024, 8], strides = [1, 1, 1]} : vector<6x1024x8xf32> to vector<1x1024x8xf32>
    %squeeze3A_438 = vector.shape_cast %slice3A_437 : vector<1x1024x8xf32> to vector<1024x8xf32>
    %dot_general3A_439 = arith.constant dense<0.000000e+00> : vector<1024x640xf32>
    %dot_general3A_440 = tpu.matmul %squeeze3A_438, %add3A_436, %dot_general3A_439 {dimension_numbers = #tpu.dot_dimension_numbers<[1], [0], [0], [1], [0, 0, 1, 1], [], []>, transpose_lhs_hint = false} : vector<1024x8xf32>, vector<8x640xf32>, vector<1024x640xf32> -> vector<1024x640xf32>
    %slice3A_441 = vector.extract_strided_slice %get3A_48 {offsets = [4, 0, 0], sizes = [1, 1024, 1], strides = [1, 1, 1]} : vector<6x1024x1xf32> to vector<1x1024x1xf32>
    %squeeze3A_442 = vector.shape_cast %slice3A_441 : vector<1x1024x1xf32> to vector<1024x1xf32>
    %add3A_443 = vector.broadcast %squeeze3A_442 : vector<1024x1xf32> to vector<1024x640xf32>
    %add3A_444 = arith.addf %dot_general3A_440, %add3A_443 : vector<1024x640xf32>
    %sub3A_445 = arith.subf %sub3A_363, %add3A_444 : vector<1024x640xf32>
    %slice3A_446 = vector.extract_strided_slice %get3A_28 {offsets = [5, 0, 0], sizes = [1, 8, 1024], strides = [1, 1, 1]} : vector<6x8x1024xf32> to vector<1x8x1024xf32>
    %squeeze3A_447 = vector.shape_cast %slice3A_446 : vector<1x8x1024xf32> to vector<8x1024xf32>
    %dot_general3A_448 = arith.constant dense<0.000000e+00> : vector<8x640xf32>
    %dot_general3A_449 = tpu.matmul %squeeze3A_447, %sub3A_445, %dot_general3A_448 {dimension_numbers = #tpu.dot_dimension_numbers<[1], [0], [0], [1], [0, 0, 1, 1], [], []>, transpose_lhs_hint = false} : vector<8x1024xf32>, vector<1024x640xf32>, vector<8x640xf32> -> vector<8x640xf32>
    %slice3A_450 = vector.extract_strided_slice %get3A_44 {offsets = [5, 0, 0], sizes = [1, 8, 1], strides = [1, 1, 1]} : vector<6x8x1xf32> to vector<1x8x1xf32>
    %squeeze3A_451 = vector.shape_cast %slice3A_450 : vector<1x8x1xf32> to vector<8x1xf32>
    %add3A_452 = vector.broadcast %squeeze3A_451 : vector<8x1xf32> to vector<8x640xf32>
    %add3A_453 = arith.addf %dot_general3A_449, %add3A_452 : vector<8x640xf32>
    %mul3A_454 = arith.mulf %add3A_453, %add3A_453 : vector<8x640xf32>
    %reduce_sum3A_455 = arith.constant dense<0.000000e+00> : vector<640xf32>
    %reduce_sum3A_456 = vector.multi_reduction <add>, %mul3A_454, %reduce_sum3A_455 [0] : vector<8x640xf32> to vector<640xf32>
    %broadcast_in_dim3A_457 = vector.shape_cast %reduce_sum3A_456 : vector<640xf32> to vector<1x640xf32>
    %sqrt3A_458 = math.sqrt %broadcast_in_dim3A_457 : vector<1x640xf32>
    %max3A_459 = arith.constant 9.99999996E-13 : f32
    %max3A_460 = vector.broadcast %max3A_459 : f32 to vector<1x640xf32>
    %max3A_461 = arith.maximumf %sqrt3A_458, %max3A_460 : vector<1x640xf32>
    %div3A_462 = vector.broadcast %max3A_461 : vector<1x640xf32> to vector<8x640xf32>
    %div3A_463 = arith.divf %add3A_453, %div3A_462 : vector<8x640xf32>
    %mul3A_464 = arith.mulf %div3A_463, %div3A_463 : vector<8x640xf32>
    %reduce_sum3A_465 = arith.constant dense<0.000000e+00> : vector<640xf32>
    %reduce_sum3A_466 = vector.multi_reduction <add>, %mul3A_464, %reduce_sum3A_465 [0] : vector<8x640xf32> to vector<640xf32>
    %broadcast_in_dim3A_467 = vector.shape_cast %reduce_sum3A_466 : vector<640xf32> to vector<1x640xf32>
    %slice3A_468 = vector.extract_strided_slice %get3A_32 {offsets = [5, 0, 0], sizes = [1, 1024, 8], strides = [1, 1, 1]} : vector<6x1024x8xf32> to vector<1x1024x8xf32>
    %squeeze3A_469 = vector.shape_cast %slice3A_468 : vector<1x1024x8xf32> to vector<1024x8xf32>
    %slice3A_470 = vector.extract_strided_slice %get3A_32 {offsets = [5, 0, 0], sizes = [1, 1024, 8], strides = [1, 1, 1]} : vector<6x1024x8xf32> to vector<1x1024x8xf32>
    %squeeze3A_471 = vector.shape_cast %slice3A_470 : vector<1x1024x8xf32> to vector<1024x8xf32>
    %slice3A_472 = vector.extract_strided_slice %get3A_32 {offsets = [5, 0, 0], sizes = [1, 1024, 8], strides = [1, 1, 1]} : vector<6x1024x8xf32> to vector<1x1024x8xf32>
    %squeeze3A_473 = vector.shape_cast %slice3A_472 : vector<1x1024x8xf32> to vector<1024x8xf32>
    %mul3A_474 = arith.mulf %squeeze3A_471, %squeeze3A_473 : vector<1024x8xf32>
    %reduce_sum3A_475 = arith.constant dense<0.000000e+00> : vector<1024xf32>
    %reduce_sum3A_476 = vector.multi_reduction <add>, %mul3A_474, %reduce_sum3A_475 [1] : vector<1024x8xf32> to vector<1024xf32>
    %broadcast_in_dim3A_477 = vector.shape_cast %reduce_sum3A_476 : vector<1024xf32> to vector<1024x1xf32>
    %sqrt3A_478 = math.sqrt %broadcast_in_dim3A_477 : vector<1024x1xf32>
    %max3A_479 = arith.constant 9.99999996E-13 : f32
    %max3A_480 = vector.broadcast %max3A_479 : f32 to vector<1024x1xf32>
    %max3A_481 = arith.maximumf %sqrt3A_478, %max3A_480 : vector<1024x1xf32>
    %div3A_482 = vector.broadcast %max3A_481 : vector<1024x1xf32> to vector<1024x8xf32>
    %div3A_483 = arith.divf %squeeze3A_469, %div3A_482 : vector<1024x8xf32>
    %mul3A_484 = arith.mulf %div3A_483, %div3A_483 : vector<1024x8xf32>
    %reduce_sum3A_485 = arith.constant dense<0.000000e+00> : vector<1024xf32>
    %reduce_sum3A_486 = vector.multi_reduction <add>, %mul3A_484, %reduce_sum3A_485 [1] : vector<1024x8xf32> to vector<1024xf32>
    %broadcast_in_dim3A_487 = vector.shape_cast %reduce_sum3A_486 : vector<1024xf32> to vector<1024x1xf32>
    %dot_general3A_488 = arith.constant dense<0.000000e+00> : vector<1024x640xf32>
    %dot_general3A_489 = tpu.matmul %div3A_483, %div3A_463, %dot_general3A_488 {dimension_numbers = #tpu.dot_dimension_numbers<[1], [0], [0], [1], [0, 0, 1, 1], [], []>, transpose_lhs_hint = false} : vector<1024x8xf32>, vector<8x640xf32>, vector<1024x640xf32> -> vector<1024x640xf32>
    %mul3A_490 = arith.constant 2.000000e+00 : f32
    %mul3A_491 = vector.broadcast %mul3A_490 : f32 to vector<1024x640xf32>
    %mul3A_492 = arith.mulf %mul3A_491, %dot_general3A_489 : vector<1024x640xf32>
    %sub3A_493 = vector.broadcast %broadcast_in_dim3A_467 : vector<1x640xf32> to vector<1024x640xf32>
    %sub3A_494 = arith.subf %sub3A_493, %mul3A_492 : vector<1024x640xf32>
    %add3A_495 = vector.broadcast %broadcast_in_dim3A_487 : vector<1024x1xf32> to vector<1024x640xf32>
    %add3A_496 = arith.addf %sub3A_494, %add3A_495 : vector<1024x640xf32>
    %reduce_min3A_497 = arith.constant dense<0x7F800000> : vector<640xf32>
    %reduce_min3A_498 = vector.multi_reduction <minimumf>, %add3A_496, %reduce_min3A_497 [0] : vector<1024x640xf32> to vector<640xf32>
    %broadcast_in_dim3A_499 = vector.shape_cast %reduce_min3A_498 : vector<640xf32> to vector<1x640xf32>
    %iota3A_500 = tpu.iota {dimensions = array<i32: 0>} : vector<1024x640xi32>
    %le3A_501 = vector.broadcast %broadcast_in_dim3A_499 : vector<1x640xf32> to vector<1024x640xf32>
    %le3A_502 = arith.cmpf ole, %add3A_496, %le3A_501 : vector<1024x640xf32>
    %jit3A_503 = arith.constant 1073741824 : i32
    %broadcast_in_dim3A_504 = vector.broadcast %jit3A_503 : i32 to vector<1024x640xi32>
    %select_n3A_505 = arith.select %le3A_502, %iota3A_500, %broadcast_in_dim3A_504 : vector<1024x640xi1>, vector<1024x640xi32>
    %reduce_min3A_506 = arith.constant dense<2147483647> : vector<640xi32>
    %reduce_min3A_507 = vector.multi_reduction <minsi>, %select_n3A_505, %reduce_min3A_506 [0] : vector<1024x640xi32> to vector<640xi32>
    %broadcast_in_dim3A_508 = vector.shape_cast %reduce_min3A_507 : vector<640xi32> to vector<1x640xi32>
    %add3A_509 = arith.addf %add3A_362, %add3A_444 : vector<1024x640xf32>
    %slice3A_510 = vector.extract_strided_slice %add3A_115 {offsets = [0, 0], sizes = [1024, 160], strides = [1, 1]} : vector<1024x640xf32> to vector<1024x160xf32>
    %swap3A = arith.constant 0 : index
    %swap3A_511 = arith.constant 0 : index
    %swap3A_512 = arith.constant 0 : index
    %swap3A_513 = vector.load %arg10[%swap3A, %swap3A_511, %swap3A_512] : memref<4x1024x160xf32, #tpu.memory_space<vmem>>, vector<1x1024x160xf32>
    %swap3A_514 = vector.shape_cast %swap3A_513 : vector<1x1024x160xf32> to vector<1024x160xf32>
    %swap3A_515 = vector.shape_cast %slice3A_510 : vector<1024x160xf32> to vector<1x1024x160xf32>
    tpu.vector_store %arg10[%swap3A, %swap3A_511, %swap3A_512], %swap3A_515 {strides = array<i32>} : memref<4x1024x160xf32, #tpu.memory_space<vmem>>, vector<1x1024x160xf32>,
    %slice3A_516 = vector.extract_strided_slice %add3A_279 {offsets = [0, 0], sizes = [1024, 160], strides = [1, 1]} : vector<1024x640xf32> to vector<1024x160xf32>
    %swap3A_517 = arith.constant 0 : index
    %swap3A_518 = arith.constant 0 : index
    %swap3A_519 = arith.constant 0 : index
    %swap3A_520 = vector.load %arg11[%swap3A_517, %swap3A_518, %swap3A_519] : memref<4x1024x160xf32, #tpu.memory_space<vmem>>, vector<1x1024x160xf32>
    %swap3A_521 = vector.shape_cast %swap3A_520 : vector<1x1024x160xf32> to vector<1024x160xf32>
    %swap3A_522 = vector.shape_cast %slice3A_516 : vector<1024x160xf32> to vector<1x1024x160xf32>
    tpu.vector_store %arg11[%swap3A_517, %swap3A_518, %swap3A_519], %swap3A_522 {strides = array<i32>} : memref<4x1024x160xf32, #tpu.memory_space<vmem>>, vector<1x1024x160xf32>,
    %slice3A_523 = vector.extract_strided_slice %add3A_509 {offsets = [0, 0], sizes = [1024, 160], strides = [1, 1]} : vector<1024x640xf32> to vector<1024x160xf32>
    %swap3A_524 = arith.constant 0 : index
    %swap3A_525 = arith.constant 0 : index
    %swap3A_526 = arith.constant 0 : index
    %swap3A_527 = vector.load %arg12[%swap3A_524, %swap3A_525, %swap3A_526] : memref<4x1024x160xf32, #tpu.memory_space<vmem>>, vector<1x1024x160xf32>
    %swap3A_528 = vector.shape_cast %swap3A_527 : vector<1x1024x160xf32> to vector<1024x160xf32>
    %swap3A_529 = vector.shape_cast %slice3A_523 : vector<1024x160xf32> to vector<1x1024x160xf32>
    tpu.vector_store %arg12[%swap3A_524, %swap3A_525, %swap3A_526], %swap3A_529 {strides = array<i32>} : memref<4x1024x160xf32, #tpu.memory_space<vmem>>, vector<1x1024x160xf32>,
    %slice3A_530 = vector.extract_strided_slice %add3A_115 {offsets = [0, 160], sizes = [1024, 160], strides = [1, 1]} : vector<1024x640xf32> to vector<1024x160xf32>
    %swap3A_531 = arith.constant 1 : index
    %swap3A_532 = arith.constant 0 : index
    %swap3A_533 = arith.constant 0 : index
    %swap3A_534 = vector.load %arg10[%swap3A_531, %swap3A_532, %swap3A_533] : memref<4x1024x160xf32, #tpu.memory_space<vmem>>, vector<1x1024x160xf32>
    %swap3A_535 = vector.shape_cast %swap3A_534 : vector<1x1024x160xf32> to vector<1024x160xf32>
    %swap3A_536 = vector.shape_cast %slice3A_530 : vector<1024x160xf32> to vector<1x1024x160xf32>
    tpu.vector_store %arg10[%swap3A_531, %swap3A_532, %swap3A_533], %swap3A_536 {strides = array<i32>} : memref<4x1024x160xf32, #tpu.memory_space<vmem>>, vector<1x1024x160xf32>,
    %slice3A_537 = vector.extract_strided_slice %add3A_279 {offsets = [0, 160], sizes = [1024, 160], strides = [1, 1]} : vector<1024x640xf32> to vector<1024x160xf32>
    %swap3A_538 = arith.constant 1 : index
    %swap3A_539 = arith.constant 0 : index
    %swap3A_540 = arith.constant 0 : index
    %swap3A_541 = vector.load %arg11[%swap3A_538, %swap3A_539, %swap3A_540] : memref<4x1024x160xf32, #tpu.memory_space<vmem>>, vector<1x1024x160xf32>
    %swap3A_542 = vector.shape_cast %swap3A_541 : vector<1x1024x160xf32> to vector<1024x160xf32>
    %swap3A_543 = vector.shape_cast %slice3A_537 : vector<1024x160xf32> to vector<1x1024x160xf32>
    tpu.vector_store %arg11[%swap3A_538, %swap3A_539, %swap3A_540], %swap3A_543 {strides = array<i32>} : memref<4x1024x160xf32, #tpu.memory_space<vmem>>, vector<1x1024x160xf32>,
    %slice3A_544 = vector.extract_strided_slice %add3A_509 {offsets = [0, 160], sizes = [1024, 160], strides = [1, 1]} : vector<1024x640xf32> to vector<1024x160xf32>
    %swap3A_545 = arith.constant 1 : index
    %swap3A_546 = arith.constant 0 : index
    %swap3A_547 = arith.constant 0 : index
    %swap3A_548 = vector.load %arg12[%swap3A_545, %swap3A_546, %swap3A_547] : memref<4x1024x160xf32, #tpu.memory_space<vmem>>, vector<1x1024x160xf32>
    %swap3A_549 = vector.shape_cast %swap3A_548 : vector<1x1024x160xf32> to vector<1024x160xf32>
    %swap3A_550 = vector.shape_cast %slice3A_544 : vector<1024x160xf32> to vector<1x1024x160xf32>
    tpu.vector_store %arg12[%swap3A_545, %swap3A_546, %swap3A_547], %swap3A_550 {strides = array<i32>} : memref<4x1024x160xf32, #tpu.memory_space<vmem>>, vector<1x1024x160xf32>,
    %slice3A_551 = vector.extract_strided_slice %add3A_115 {offsets = [0, 320], sizes = [1024, 160], strides = [1, 1]} : vector<1024x640xf32> to vector<1024x160xf32>
    %swap3A_552 = arith.constant 2 : index
    %swap3A_553 = arith.constant 0 : index
    %swap3A_554 = arith.constant 0 : index
    %swap3A_555 = vector.load %arg10[%swap3A_552, %swap3A_553, %swap3A_554] : memref<4x1024x160xf32, #tpu.memory_space<vmem>>, vector<1x1024x160xf32>
    %swap3A_556 = vector.shape_cast %swap3A_555 : vector<1x1024x160xf32> to vector<1024x160xf32>
    %swap3A_557 = vector.shape_cast %slice3A_551 : vector<1024x160xf32> to vector<1x1024x160xf32>
    tpu.vector_store %arg10[%swap3A_552, %swap3A_553, %swap3A_554], %swap3A_557 {strides = array<i32>} : memref<4x1024x160xf32, #tpu.memory_space<vmem>>, vector<1x1024x160xf32>,
    %slice3A_558 = vector.extract_strided_slice %add3A_279 {offsets = [0, 320], sizes = [1024, 160], strides = [1, 1]} : vector<1024x640xf32> to vector<1024x160xf32>
    %swap3A_559 = arith.constant 2 : index
    %swap3A_560 = arith.constant 0 : index
    %swap3A_561 = arith.constant 0 : index
    %swap3A_562 = vector.load %arg11[%swap3A_559, %swap3A_560, %swap3A_561] : memref<4x1024x160xf32, #tpu.memory_space<vmem>>, vector<1x1024x160xf32>
    %swap3A_563 = vector.shape_cast %swap3A_562 : vector<1x1024x160xf32> to vector<1024x160xf32>
    %swap3A_564 = vector.shape_cast %slice3A_558 : vector<1024x160xf32> to vector<1x1024x160xf32>
    tpu.vector_store %arg11[%swap3A_559, %swap3A_560, %swap3A_561], %swap3A_564 {strides = array<i32>} : memref<4x1024x160xf32, #tpu.memory_space<vmem>>, vector<1x1024x160xf32>,
    %slice3A_565 = vector.extract_strided_slice %add3A_509 {offsets = [0, 320], sizes = [1024, 160], strides = [1, 1]} : vector<1024x640xf32> to vector<1024x160xf32>
    %swap3A_566 = arith.constant 2 : index
    %swap3A_567 = arith.constant 0 : index
    %swap3A_568 = arith.constant 0 : index
    %swap3A_569 = vector.load %arg12[%swap3A_566, %swap3A_567, %swap3A_568] : memref<4x1024x160xf32, #tpu.memory_space<vmem>>, vector<1x1024x160xf32>
    %swap3A_570 = vector.shape_cast %swap3A_569 : vector<1x1024x160xf32> to vector<1024x160xf32>
    %swap3A_571 = vector.shape_cast %slice3A_565 : vector<1024x160xf32> to vector<1x1024x160xf32>
    tpu.vector_store %arg12[%swap3A_566, %swap3A_567, %swap3A_568], %swap3A_571 {strides = array<i32>} : memref<4x1024x160xf32, #tpu.memory_space<vmem>>, vector<1x1024x160xf32>,
    %slice3A_572 = vector.extract_strided_slice %add3A_115 {offsets = [0, 480], sizes = [1024, 160], strides = [1, 1]} : vector<1024x640xf32> to vector<1024x160xf32>
    %swap3A_573 = arith.constant 3 : index
    %swap3A_574 = arith.constant 0 : index
    %swap3A_575 = arith.constant 0 : index
    %swap3A_576 = vector.load %arg10[%swap3A_573, %swap3A_574, %swap3A_575] : memref<4x1024x160xf32, #tpu.memory_space<vmem>>, vector<1x1024x160xf32>
    %swap3A_577 = vector.shape_cast %swap3A_576 : vector<1x1024x160xf32> to vector<1024x160xf32>
    %swap3A_578 = vector.shape_cast %slice3A_572 : vector<1024x160xf32> to vector<1x1024x160xf32>
    tpu.vector_store %arg10[%swap3A_573, %swap3A_574, %swap3A_575], %swap3A_578 {strides = array<i32>} : memref<4x1024x160xf32, #tpu.memory_space<vmem>>, vector<1x1024x160xf32>,
    %slice3A_579 = vector.extract_strided_slice %add3A_279 {offsets = [0, 480], sizes = [1024, 160], strides = [1, 1]} : vector<1024x640xf32> to vector<1024x160xf32>
    %swap3A_580 = arith.constant 3 : index
    %swap3A_581 = arith.constant 0 : index
    %swap3A_582 = arith.constant 0 : index
    %swap3A_583 = vector.load %arg11[%swap3A_580, %swap3A_581, %swap3A_582] : memref<4x1024x160xf32, #tpu.memory_space<vmem>>, vector<1x1024x160xf32>
    %swap3A_584 = vector.shape_cast %swap3A_583 : vector<1x1024x160xf32> to vector<1024x160xf32>
    %swap3A_585 = vector.shape_cast %slice3A_579 : vector<1024x160xf32> to vector<1x1024x160xf32>
    tpu.vector_store %arg11[%swap3A_580, %swap3A_581, %swap3A_582], %swap3A_585 {strides = array<i32>} : memref<4x1024x160xf32, #tpu.memory_space<vmem>>, vector<1x1024x160xf32>,
    %slice3A_586 = vector.extract_strided_slice %add3A_509 {offsets = [0, 480], sizes = [1024, 160], strides = [1, 1]} : vector<1024x640xf32> to vector<1024x160xf32>
    %swap3A_587 = arith.constant 3 : index
    %swap3A_588 = arith.constant 0 : index
    %swap3A_589 = arith.constant 0 : index
    %swap3A_590 = vector.load %arg12[%swap3A_587, %swap3A_588, %swap3A_589] : memref<4x1024x160xf32, #tpu.memory_space<vmem>>, vector<1x1024x160xf32>
    %swap3A_591 = vector.shape_cast %swap3A_590 : vector<1x1024x160xf32> to vector<1024x160xf32>
    %swap3A_592 = vector.shape_cast %slice3A_586 : vector<1024x160xf32> to vector<1x1024x160xf32>
    tpu.vector_store %arg12[%swap3A_587, %swap3A_588, %swap3A_589], %swap3A_592 {strides = array<i32>} : memref<4x1024x160xf32, #tpu.memory_space<vmem>>, vector<1x1024x160xf32>,
    %swap3A_593 = arith.constant 0 : index
    %swap3A_594 = arith.constant 0 : index
    %swap3A_595 = vector.load %arg13[%swap3A_593, %swap3A_594] : memref<1x640xi32, #tpu.memory_space<vmem>>, vector<1x640xi32>
    tpu.vector_store %arg13[%swap3A_593, %swap3A_594], %broadcast_in_dim3A_99 {strides = array<i32>} : memref<1x640xi32, #tpu.memory_space<vmem>>, vector<1x640xi32>,
    %concatenate3A_596 = tpu.concatenate %broadcast_in_dim3A_178, %broadcast_in_dim3A_260 in 0 : vector<1x640xi32>, vector<1x640xi32> -> vector<2x640xi32>
    %swap3A_597 = arith.constant 0 : index
    %swap3A_598 = arith.constant 0 : index
    %swap3A_599 = vector.load %arg14[%swap3A_597, %swap3A_598] : memref<2x640xi32, #tpu.memory_space<vmem>>, vector<2x640xi32>
    tpu.vector_store %arg14[%swap3A_597, %swap3A_598], %concatenate3A_596 {strides = array<i32>} : memref<2x640xi32, #tpu.memory_space<vmem>>, vector<2x640xi32>,
    %concatenate3A_600 = tpu.concatenate %broadcast_in_dim3A_344, %broadcast_in_dim3A_426, %broadcast_in_dim3A_508 in 0 : vector<1x640xi32>, vector<1x640xi32>, vector<1x640xi32> -> vector<3x640xi32>
    %swap3A_601 = arith.constant 0 : index
    %swap3A_602 = arith.constant 0 : index
    %swap3A_603 = vector.load %arg15[%swap3A_601, %swap3A_602] : memref<3x640xi32, #tpu.memory_space<vmem>>, vector<3x640xi32>
    tpu.vector_store %arg15[%swap3A_601, %swap3A_602], %concatenate3A_600 {strides = array<i32>} : memref<3x640xi32, #tpu.memory_space<vmem>>, vector<3x640xi32>,
    %swap3A_604 = arith.constant 0 : index
    %swap3A_605 = arith.constant 0 : index
    %swap3A_606 = vector.load %arg16[%swap3A_604, %swap3A_605] : memref<8x640xf32, #tpu.memory_space<vmem>>, vector<8x640xf32>
    tpu.vector_store %arg16[%swap3A_604, %swap3A_605], %add3A_453 {strides = array<i32>} : memref<8x640xf32, #tpu.memory_space<vmem>>, vector<8x640xf32>,
    return
  }
}

module attributes {stable_mosaic.version = 14 : i64} {
  func.func @_wn_body(%arg0: i32, %arg1: memref<680x256xf32, #tpu.memory_space<vmem>>, %arg2: memref<1x5x256x512xbf16, #tpu.memory_space<vmem>>, %arg3: memref<1x1x512xf32, #tpu.memory_space<vmem>>, %arg4: memref<1x256x512xbf16, #tpu.memory_space<vmem>>, %arg5: memref<1x1x512xf32, #tpu.memory_space<vmem>>, %arg6: memref<680x1xf32, #tpu.memory_space<vmem>>, %arg7: memref<680x256xf32, #tpu.memory_space<vmem>>, %arg8: memref<680x256xf32, #tpu.memory_space<vmem>>, %arg9: memref<680x256xf32, #tpu.memory_space<vmem>>) attributes {dimension_semantics = [#tpu.dimension_semantics<arbitrary>], iteration_bounds = array<i64: 8>, scalar_prefetch = 0 : i64, scratch_operands = 2 : i64, tpu.core_type = #tpu.core_type<tc>, window_params = [{pipeline_mode = #tpu.pipeline_mode<synchronous>, transform_indices = @transform_0, window_bounds = array<i64: 680, 256>}, {transform_indices = @transform_1, window_bounds = array<i64: 1, 5, 256, 512>}, {transform_indices = @transform_2, window_bounds = array<i64: 1, 1, 512>}, {transform_indices = @transform_3, window_bounds = array<i64: 1, 256, 512>}, {transform_indices = @transform_4, window_bounds = array<i64: 1, 1, 512>}, {pipeline_mode = #tpu.pipeline_mode<synchronous>, transform_indices = @transform_5, window_bounds = array<i64: 680, 1>}, {pipeline_mode = #tpu.pipeline_mode<synchronous>, transform_indices = @transform_6, window_bounds = array<i64: 680, 256>}]} {
    %eq3A = arith.constant 0 : i32
    %eq3A_0 = arith.cmpi eq, %arg0, %eq3A : i32
    %convert_element_type3A = arith.extui %eq3A_0 : i1 to i32
    %cond3A = arith.constant 0 : i32
    %cond3A_1 = arith.cmpi ne, %convert_element_type3A, %cond3A : i32
    scf.if %cond3A_1 {
      %get3A_85 = arith.constant 0 : index
      %get3A_86 = arith.constant 0 : index
      %get3A_87 = vector.load %arg1[%get3A_85, %get3A_86] : memref<680x256xf32, #tpu.memory_space<vmem>>, vector<680x256xf32>
      %swap3A = arith.constant 0 : index
      %swap3A_88 = arith.constant 0 : index
      %swap3A_89 = vector.load %arg8[%swap3A, %swap3A_88] : memref<680x256xf32, #tpu.memory_space<vmem>>, vector<680x256xf32>
      tpu.vector_store %arg8[%swap3A, %swap3A_88], %get3A_87 {strides = array<i32>} : memref<680x256xf32, #tpu.memory_space<vmem>>, vector<680x256xf32>,
      %broadcast_in_dim3A_90 = arith.constant 0.000000e+00 : f32
      %broadcast_in_dim3A_91 = vector.broadcast %broadcast_in_dim3A_90 : f32 to vector<680x256xf32>
      %swap3A_92 = arith.constant 0 : index
      %swap3A_93 = arith.constant 0 : index
      %swap3A_94 = vector.load %arg9[%swap3A_92, %swap3A_93] : memref<680x256xf32, #tpu.memory_space<vmem>>, vector<680x256xf32>
      tpu.vector_store %arg9[%swap3A_92, %swap3A_93], %broadcast_in_dim3A_91 {strides = array<i32>} : memref<680x256xf32, #tpu.memory_space<vmem>>, vector<680x256xf32>,
    } else {
    }
    %get3A = arith.constant 0 : index
    %get3A_2 = arith.constant 0 : index
    %get3A_3 = vector.load %arg8[%get3A, %get3A_2] : memref<680x256xf32, #tpu.memory_space<vmem>>, vector<680x256xf32>
    %get3A_4 = arith.constant 0 : index
    %get3A_5 = arith.constant 0 : index
    %get3A_6 = arith.constant 0 : index
    %get3A_7 = arith.constant 0 : index
    %get3A_8 = vector.load %arg2[%get3A_4, %get3A_5, %get3A_6, %get3A_7] : memref<1x5x256x512xbf16, #tpu.memory_space<vmem>>, vector<1x5x256x512xbf16>
    %convert_element_type3A_9 = arith.extf %get3A_8 : vector<1x5x256x512xbf16> to vector<1x5x256x512xf32>
    %broadcast_in_dim3A = arith.constant 0.000000e+00 : f32
    %broadcast_in_dim3A_10 = vector.broadcast %broadcast_in_dim3A : f32 to vector<680x512xf32>
    %get3A_11 = arith.constant 0 : index
    %get3A_12 = arith.constant 0 : index
    %get3A_13 = arith.constant 0 : index
    %get3A_14 = vector.load %arg3[%get3A_11, %get3A_12, %get3A_13] : memref<1x1x512xf32, #tpu.memory_space<vmem>>, vector<1x1x512xf32>
    %squeeze3A = vector.shape_cast %get3A_14 : vector<1x1x512xf32> to vector<1x512xf32>
    %add3A = vector.broadcast %squeeze3A : vector<1x512xf32> to vector<680x512xf32>
    %add3A_15 = arith.addf %broadcast_in_dim3A_10, %add3A : vector<680x512xf32>
    %broadcast_in_dim3A_16 = arith.constant 0.000000e+00 : f32
    %broadcast_in_dim3A_17 = vector.broadcast %broadcast_in_dim3A_16 : f32 to vector<2x256xf32>
    %slice3A = vector.extract_strided_slice %get3A_3 {offsets = [0, 0], sizes = [678, 256], strides = [1, 1]} : vector<680x256xf32> to vector<678x256xf32>
    %concatenate3A = tpu.concatenate %broadcast_in_dim3A_17, %slice3A in 0 : vector<2x256xf32>, vector<678x256xf32> -> vector<680x256xf32>
    %slice3A_18 = vector.extract_strided_slice %convert_element_type3A_9 {offsets = [0, 0, 0, 0], sizes = [1, 1, 256, 512], strides = [1, 1, 1, 1]} : vector<1x5x256x512xf32> to vector<1x1x256x512xf32>
    %squeeze3A_19 = vector.shape_cast %slice3A_18 : vector<1x1x256x512xf32> to vector<256x512xf32>
    %dot_general3A = arith.constant dense<0.000000e+00> : vector<680x512xf32>
    %dot_general3A_20 = tpu.matmul %concatenate3A, %squeeze3A_19, %dot_general3A {dimension_numbers = #tpu.dot_dimension_numbers<[1], [0], [0], [1], [0, 0, 1, 1], [], []>, transpose_lhs_hint = false} : vector<680x256xf32>, vector<256x512xf32>, vector<680x512xf32> -> vector<680x512xf32>
    %add3A_21 = arith.addf %add3A_15, %dot_general3A_20 : vector<680x512xf32>
    %broadcast_in_dim3A_22 = arith.constant 0.000000e+00 : f32
    %broadcast_in_dim3A_23 = vector.broadcast %broadcast_in_dim3A_22 : f32 to vector<1x256xf32>
    %slice3A_24 = vector.extract_strided_slice %get3A_3 {offsets = [0, 0], sizes = [679, 256], strides = [1, 1]} : vector<680x256xf32> to vector<679x256xf32>
    %concatenate3A_25 = tpu.concatenate %broadcast_in_dim3A_23, %slice3A_24 in 0 : vector<1x256xf32>, vector<679x256xf32> -> vector<680x256xf32>
    %slice3A_26 = vector.extract_strided_slice %convert_element_type3A_9 {offsets = [0, 1, 0, 0], sizes = [1, 1, 256, 512], strides = [1, 1, 1, 1]} : vector<1x5x256x512xf32> to vector<1x1x256x512xf32>
    %squeeze3A_27 = vector.shape_cast %slice3A_26 : vector<1x1x256x512xf32> to vector<256x512xf32>
    %dot_general3A_28 = arith.constant dense<0.000000e+00> : vector<680x512xf32>
    %dot_general3A_29 = tpu.matmul %concatenate3A_25, %squeeze3A_27, %dot_general3A_28 {dimension_numbers = #tpu.dot_dimension_numbers<[1], [0], [0], [1], [0, 0, 1, 1], [], []>, transpose_lhs_hint = false} : vector<680x256xf32>, vector<256x512xf32>, vector<680x512xf32> -> vector<680x512xf32>
    %add3A_30 = arith.addf %add3A_21, %dot_general3A_29 : vector<680x512xf32>
    %slice3A_31 = vector.extract_strided_slice %convert_element_type3A_9 {offsets = [0, 2, 0, 0], sizes = [1, 1, 256, 512], strides = [1, 1, 1, 1]} : vector<1x5x256x512xf32> to vector<1x1x256x512xf32>
    %squeeze3A_32 = vector.shape_cast %slice3A_31 : vector<1x1x256x512xf32> to vector<256x512xf32>
    %dot_general3A_33 = arith.constant dense<0.000000e+00> : vector<680x512xf32>
    %dot_general3A_34 = tpu.matmul %get3A_3, %squeeze3A_32, %dot_general3A_33 {dimension_numbers = #tpu.dot_dimension_numbers<[1], [0], [0], [1], [0, 0, 1, 1], [], []>, transpose_lhs_hint = false} : vector<680x256xf32>, vector<256x512xf32>, vector<680x512xf32> -> vector<680x512xf32>
    %add3A_35 = arith.addf %add3A_30, %dot_general3A_34 : vector<680x512xf32>
    %slice3A_36 = vector.extract_strided_slice %get3A_3 {offsets = [1, 0], sizes = [679, 256], strides = [1, 1]} : vector<680x256xf32> to vector<679x256xf32>
    %broadcast_in_dim3A_37 = arith.constant 0.000000e+00 : f32
    %broadcast_in_dim3A_38 = vector.broadcast %broadcast_in_dim3A_37 : f32 to vector<1x256xf32>
    %concatenate3A_39 = tpu.concatenate %slice3A_36, %broadcast_in_dim3A_38 in 0 : vector<679x256xf32>, vector<1x256xf32> -> vector<680x256xf32>
    %slice3A_40 = vector.extract_strided_slice %convert_element_type3A_9 {offsets = [0, 3, 0, 0], sizes = [1, 1, 256, 512], strides = [1, 1, 1, 1]} : vector<1x5x256x512xf32> to vector<1x1x256x512xf32>
    %squeeze3A_41 = vector.shape_cast %slice3A_40 : vector<1x1x256x512xf32> to vector<256x512xf32>
    %dot_general3A_42 = arith.constant dense<0.000000e+00> : vector<680x512xf32>
    %dot_general3A_43 = tpu.matmul %concatenate3A_39, %squeeze3A_41, %dot_general3A_42 {dimension_numbers = #tpu.dot_dimension_numbers<[1], [0], [0], [1], [0, 0, 1, 1], [], []>, transpose_lhs_hint = false} : vector<680x256xf32>, vector<256x512xf32>, vector<680x512xf32> -> vector<680x512xf32>
    %add3A_44 = arith.addf %add3A_35, %dot_general3A_43 : vector<680x512xf32>
    %slice3A_45 = vector.extract_strided_slice %get3A_3 {offsets = [2, 0], sizes = [678, 256], strides = [1, 1]} : vector<680x256xf32> to vector<678x256xf32>
    %broadcast_in_dim3A_46 = arith.constant 0.000000e+00 : f32
    %broadcast_in_dim3A_47 = vector.broadcast %broadcast_in_dim3A_46 : f32 to vector<2x256xf32>
    %concatenate3A_48 = tpu.concatenate %slice3A_45, %broadcast_in_dim3A_47 in 0 : vector<678x256xf32>, vector<2x256xf32> -> vector<680x256xf32>
    %slice3A_49 = vector.extract_strided_slice %convert_element_type3A_9 {offsets = [0, 4, 0, 0], sizes = [1, 1, 256, 512], strides = [1, 1, 1, 1]} : vector<1x5x256x512xf32> to vector<1x1x256x512xf32>
    %squeeze3A_50 = vector.shape_cast %slice3A_49 : vector<1x1x256x512xf32> to vector<256x512xf32>
    %dot_general3A_51 = arith.constant dense<0.000000e+00> : vector<680x512xf32>
    %dot_general3A_52 = tpu.matmul %concatenate3A_48, %squeeze3A_50, %dot_general3A_51 {dimension_numbers = #tpu.dot_dimension_numbers<[1], [0], [0], [1], [0, 0, 1, 1], [], []>, transpose_lhs_hint = false} : vector<680x256xf32>, vector<256x512xf32>, vector<680x512xf32> -> vector<680x512xf32>
    %add3A_53 = arith.addf %add3A_44, %dot_general3A_52 : vector<680x512xf32>
    %slice3A_54 = vector.extract_strided_slice %add3A_53 {offsets = [0, 0], sizes = [680, 256], strides = [1, 1]} : vector<680x512xf32> to vector<680x256xf32>
    %tanh3A = math.tanh %slice3A_54 : vector<680x256xf32>
    %slice3A_55 = vector.extract_strided_slice %add3A_53 {offsets = [0, 256], sizes = [680, 256], strides = [1, 1]} : vector<680x512xf32> to vector<680x256xf32>
    %logistic3A = arith.negf %slice3A_55 : vector<680x256xf32>
    %logistic3A_56 = math.exp %logistic3A : vector<680x256xf32>
    %logistic3A_57 = arith.constant 1.000000e+00 : f32
    %logistic3A_58 = vector.broadcast %logistic3A_57 : f32 to vector<680x256xf32>
    %logistic3A_59 = arith.addf %logistic3A_58, %logistic3A_56 : vector<680x256xf32>
    %logistic3A_60 = arith.divf %logistic3A_58, %logistic3A_59 : vector<680x256xf32>
    %mul3A = arith.mulf %tanh3A, %logistic3A_60 : vector<680x256xf32>
    %get3A_61 = arith.constant 0 : index
    %get3A_62 = arith.constant 0 : index
    %get3A_63 = arith.constant 0 : index
    %get3A_64 = vector.load %arg4[%get3A_61, %get3A_62, %get3A_63] : memref<1x256x512xbf16, #tpu.memory_space<vmem>>, vector<1x256x512xbf16>
    %squeeze3A_65 = vector.shape_cast %get3A_64 : vector<1x256x512xbf16> to vector<256x512xbf16>
    %convert_element_type3A_66 = arith.extf %squeeze3A_65 : vector<256x512xbf16> to vector<256x512xf32>
    %dot_general3A_67 = arith.constant dense<0.000000e+00> : vector<680x512xf32>
    %dot_general3A_68 = tpu.matmul %mul3A, %convert_element_type3A_66, %dot_general3A_67 {dimension_numbers = #tpu.dot_dimension_numbers<[1], [0], [0], [1], [0, 0, 1, 1], [], []>, transpose_lhs_hint = false} : vector<680x256xf32>, vector<256x512xf32>, vector<680x512xf32> -> vector<680x512xf32>
    %get3A_69 = arith.constant 0 : index
    %get3A_70 = arith.constant 0 : index
    %get3A_71 = arith.constant 0 : index
    %get3A_72 = vector.load %arg5[%get3A_69, %get3A_70, %get3A_71] : memref<1x1x512xf32, #tpu.memory_space<vmem>>, vector<1x1x512xf32>
    %squeeze3A_73 = vector.shape_cast %get3A_72 : vector<1x1x512xf32> to vector<1x512xf32>
    %add3A_74 = vector.broadcast %squeeze3A_73 : vector<1x512xf32> to vector<680x512xf32>
    %add3A_75 = arith.addf %dot_general3A_68, %add3A_74 : vector<680x512xf32>
    %lt3A = arith.constant 7 : i32
    %lt3A_76 = arith.cmpi slt, %arg0, %lt3A : i32
    %convert_element_type3A_77 = arith.extui %lt3A_76 : i1 to i32
    %cond3A_78 = arith.constant 0 : i32
    %cond3A_79 = arith.cmpi ne, %convert_element_type3A_77, %cond3A_78 : i32
    scf.if %cond3A_79 {
      %slice3A_85 = vector.extract_strided_slice %add3A_75 {offsets = [0, 0], sizes = [680, 256], strides = [1, 1]} : vector<680x512xf32> to vector<680x256xf32>
      %add3A_86 = arith.addf %get3A_3, %slice3A_85 : vector<680x256xf32>
      %get3A_87 = arith.constant 0 : index
      %get3A_88 = arith.constant 0 : index
      %get3A_89 = vector.load %arg6[%get3A_87, %get3A_88] : memref<680x1xf32, #tpu.memory_space<vmem>>, vector<680x1xf32>
      %mul3A_90 = vector.broadcast %get3A_89 : vector<680x1xf32> to vector<680x256xf32>
      %mul3A_91 = arith.mulf %add3A_86, %mul3A_90 : vector<680x256xf32>
      %swap3A = arith.constant 0 : index
      %swap3A_92 = arith.constant 0 : index
      %swap3A_93 = vector.load %arg8[%swap3A, %swap3A_92] : memref<680x256xf32, #tpu.memory_space<vmem>>, vector<680x256xf32>
      tpu.vector_store %arg8[%swap3A, %swap3A_92], %mul3A_91 {strides = array<i32>} : memref<680x256xf32, #tpu.memory_space<vmem>>, vector<680x256xf32>,
      %get3A_94 = arith.constant 0 : index
      %get3A_95 = arith.constant 0 : index
      %get3A_96 = vector.load %arg9[%get3A_94, %get3A_95] : memref<680x256xf32, #tpu.memory_space<vmem>>, vector<680x256xf32>
      %slice3A_97 = vector.extract_strided_slice %add3A_75 {offsets = [0, 256], sizes = [680, 256], strides = [1, 1]} : vector<680x512xf32> to vector<680x256xf32>
      %add3A_98 = arith.addf %get3A_96, %slice3A_97 : vector<680x256xf32>
      %swap3A_99 = arith.constant 0 : index
      %swap3A_100 = arith.constant 0 : index
      %swap3A_101 = vector.load %arg9[%swap3A_99, %swap3A_100] : memref<680x256xf32, #tpu.memory_space<vmem>>, vector<680x256xf32>
      tpu.vector_store %arg9[%swap3A_99, %swap3A_100], %add3A_98 {strides = array<i32>} : memref<680x256xf32, #tpu.memory_space<vmem>>, vector<680x256xf32>,
    } else {
    }
    %eq3A_80 = arith.constant 7 : i32
    %eq3A_81 = arith.cmpi eq, %arg0, %eq3A_80 : i32
    %convert_element_type3A_82 = arith.extui %eq3A_81 : i1 to i32
    %cond3A_83 = arith.constant 0 : i32
    %cond3A_84 = arith.cmpi ne, %convert_element_type3A_82, %cond3A_83 : i32
    scf.if %cond3A_84 {
      %get3A_85 = arith.constant 0 : index
      %get3A_86 = arith.constant 0 : index
      %get3A_87 = vector.load %arg9[%get3A_85, %get3A_86] : memref<680x256xf32, #tpu.memory_space<vmem>>, vector<680x256xf32>
      %slice3A_88 = vector.extract_strided_slice %add3A_75 {offsets = [0, 0], sizes = [680, 256], strides = [1, 1]} : vector<680x512xf32> to vector<680x256xf32>
      %add3A_89 = arith.addf %get3A_87, %slice3A_88 : vector<680x256xf32>
      %get3A_90 = arith.constant 0 : index
      %get3A_91 = arith.constant 0 : index
      %get3A_92 = vector.load %arg6[%get3A_90, %get3A_91] : memref<680x1xf32, #tpu.memory_space<vmem>>, vector<680x1xf32>
      %mul3A_93 = vector.broadcast %get3A_92 : vector<680x1xf32> to vector<680x256xf32>
      %mul3A_94 = arith.mulf %add3A_89, %mul3A_93 : vector<680x256xf32>
      %swap3A = arith.constant 0 : index
      %swap3A_95 = arith.constant 0 : index
      %swap3A_96 = vector.load %arg7[%swap3A, %swap3A_95] : memref<680x256xf32, #tpu.memory_space<vmem>>, vector<680x256xf32>
      tpu.vector_store %arg7[%swap3A, %swap3A_95], %mul3A_94 {strides = array<i32>} : memref<680x256xf32, #tpu.memory_space<vmem>>, vector<680x256xf32>,
    } else {
    }
    return
  }
  func.func @transform_0(%arg0: i32) -> (i32, i32) {
    %c0_i32 = arith.constant 0 : i32
    %c0_i32_0 = arith.constant 0 : i32
    %c0_i32_1 = arith.constant 0 : i32
    return %c0_i32, %c0_i32_0 : i32, i32
  }
  func.func @transform_1(%arg0: i32) -> (i32, i32, i32, i32) {
    %c0_i32 = arith.constant 0 : i32
    %c0_i32_0 = arith.constant 0 : i32
    %c0_i32_1 = arith.constant 0 : i32
    %c0_i32_2 = arith.constant 0 : i32
    return %arg0, %c0_i32, %c0_i32_0, %c0_i32_1 : i32, i32, i32, i32
  }
  func.func @transform_2(%arg0: i32) -> (i32, i32, i32) {
    %c0_i32 = arith.constant 0 : i32
    %c0_i32_0 = arith.constant 0 : i32
    %c0_i32_1 = arith.constant 0 : i32
    return %arg0, %c0_i32, %c0_i32_0 : i32, i32, i32
  }
  func.func @transform_3(%arg0: i32) -> (i32, i32, i32) {
    %c0_i32 = arith.constant 0 : i32
    %c0_i32_0 = arith.constant 0 : i32
    %c0_i32_1 = arith.constant 0 : i32
    return %arg0, %c0_i32, %c0_i32_0 : i32, i32, i32
  }
  func.func @transform_4(%arg0: i32) -> (i32, i32, i32) {
    %c0_i32 = arith.constant 0 : i32
    %c0_i32_0 = arith.constant 0 : i32
    %c0_i32_1 = arith.constant 0 : i32
    return %arg0, %c0_i32, %c0_i32_0 : i32, i32, i32
  }
  func.func @transform_5(%arg0: i32) -> (i32, i32) {
    %c0_i32 = arith.constant 0 : i32
    %c0_i32_0 = arith.constant 0 : i32
    %c0_i32_1 = arith.constant 0 : i32
    return %c0_i32, %c0_i32_0 : i32, i32
  }
  func.func @transform_6(%arg0: i32) -> (i32, i32) {
    %c0_i32 = arith.constant 0 : i32
    %c0_i32_0 = arith.constant 0 : i32
    %c0_i32_1 = arith.constant 0 : i32
    return %c0_i32, %c0_i32_0 : i32, i32
  }
}

module attributes {stable_mosaic.version = 14 : i64} {
  func.func @_mel_body(%arg0: memref<680x300xf32, #tpu.memory_space<vmem>>, %arg1: memref<5x300x256xf32, #tpu.memory_space<vmem>>, %arg2: memref<128x128xf32, #tpu.memory_space<vmem>>, %arg3: memref<128x256xf32, #tpu.memory_space<vmem>>, %arg4: memref<1x256xf32, #tpu.memory_space<vmem>>, %arg5: memref<680x1xf32, #tpu.memory_space<vmem>>, %arg6: memref<680x256xf32, #tpu.memory_space<vmem>>) attributes {dimension_semantics = [], scalar_prefetch = 0 : i64, scratch_operands = 0 : i64, tpu.core_type = #tpu.core_type<tc>} {
    %get3A = arith.constant 0 : index
    %get3A_0 = arith.constant 0 : index
    %get3A_1 = vector.load %arg0[%get3A, %get3A_0] : memref<680x300xf32, #tpu.memory_space<vmem>>, vector<680x300xf32>
    %get3A_2 = arith.constant 0 : index
    %get3A_3 = arith.constant 0 : index
    %get3A_4 = arith.constant 0 : index
    %get3A_5 = vector.load %arg1[%get3A_2, %get3A_3, %get3A_4] : memref<5x300x256xf32, #tpu.memory_space<vmem>>, vector<5x300x256xf32>
    %broadcast_in_dim3A = arith.constant 0.000000e+00 : f32
    %broadcast_in_dim3A_6 = vector.broadcast %broadcast_in_dim3A : f32 to vector<680x256xf32>
    %slice3A = vector.extract_strided_slice %get3A_1 {offsets = [1, 0], sizes = [679, 300], strides = [1, 1]} : vector<680x300xf32> to vector<679x300xf32>
    %broadcast_in_dim3A_7 = arith.constant 0.000000e+00 : f32
    %broadcast_in_dim3A_8 = vector.broadcast %broadcast_in_dim3A_7 : f32 to vector<1x300xf32>
    %concatenate3A = tpu.concatenate %slice3A, %broadcast_in_dim3A_8 in 0 : vector<679x300xf32>, vector<1x300xf32> -> vector<680x300xf32>
    %slice3A_9 = vector.extract_strided_slice %get3A_5 {offsets = [0, 0, 0], sizes = [1, 300, 256], strides = [1, 1, 1]} : vector<5x300x256xf32> to vector<1x300x256xf32>
    %squeeze3A = vector.shape_cast %slice3A_9 : vector<1x300x256xf32> to vector<300x256xf32>
    %dot_general3A = arith.constant dense<0.000000e+00> : vector<680x256xf32>
    %dot_general3A_10 = tpu.matmul %concatenate3A, %squeeze3A, %dot_general3A {dimension_numbers = #tpu.dot_dimension_numbers<[1], [0], [0], [1], [0, 0, 1, 1], [], []>, precision = #tpu.contract_precision<fp32>, transpose_lhs_hint = false} : vector<680x300xf32>, vector<300x256xf32>, vector<680x256xf32> -> vector<680x256xf32>
    %add3A = arith.addf %broadcast_in_dim3A_6, %dot_general3A_10 : vector<680x256xf32>
    %slice3A_11 = vector.extract_strided_slice %get3A_1 {offsets = [2, 0], sizes = [678, 300], strides = [1, 1]} : vector<680x300xf32> to vector<678x300xf32>
    %broadcast_in_dim3A_12 = arith.constant 0.000000e+00 : f32
    %broadcast_in_dim3A_13 = vector.broadcast %broadcast_in_dim3A_12 : f32 to vector<2x300xf32>
    %concatenate3A_14 = tpu.concatenate %slice3A_11, %broadcast_in_dim3A_13 in 0 : vector<678x300xf32>, vector<2x300xf32> -> vector<680x300xf32>
    %slice3A_15 = vector.extract_strided_slice %get3A_5 {offsets = [1, 0, 0], sizes = [1, 300, 256], strides = [1, 1, 1]} : vector<5x300x256xf32> to vector<1x300x256xf32>
    %squeeze3A_16 = vector.shape_cast %slice3A_15 : vector<1x300x256xf32> to vector<300x256xf32>
    %dot_general3A_17 = arith.constant dense<0.000000e+00> : vector<680x256xf32>
    %dot_general3A_18 = tpu.matmul %concatenate3A_14, %squeeze3A_16, %dot_general3A_17 {dimension_numbers = #tpu.dot_dimension_numbers<[1], [0], [0], [1], [0, 0, 1, 1], [], []>, precision = #tpu.contract_precision<fp32>, transpose_lhs_hint = false} : vector<680x300xf32>, vector<300x256xf32>, vector<680x256xf32> -> vector<680x256xf32>
    %add3A_19 = arith.addf %add3A, %dot_general3A_18 : vector<680x256xf32>
    %slice3A_20 = vector.extract_strided_slice %get3A_1 {offsets = [3, 0], sizes = [677, 300], strides = [1, 1]} : vector<680x300xf32> to vector<677x300xf32>
    %broadcast_in_dim3A_21 = arith.constant 0.000000e+00 : f32
    %broadcast_in_dim3A_22 = vector.broadcast %broadcast_in_dim3A_21 : f32 to vector<3x300xf32>
    %concatenate3A_23 = tpu.concatenate %slice3A_20, %broadcast_in_dim3A_22 in 0 : vector<677x300xf32>, vector<3x300xf32> -> vector<680x300xf32>
    %slice3A_24 = vector.extract_strided_slice %get3A_5 {offsets = [2, 0, 0], sizes = [1, 300, 256], strides = [1, 1, 1]} : vector<5x300x256xf32> to vector<1x300x256xf32>
    %squeeze3A_25 = vector.shape_cast %slice3A_24 : vector<1x300x256xf32> to vector<300x256xf32>
    %dot_general3A_26 = arith.constant dense<0.000000e+00> : vector<680x256xf32>
    %dot_general3A_27 = tpu.matmul %concatenate3A_23, %squeeze3A_25, %dot_general3A_26 {dimension_numbers = #tpu.dot_dimension_numbers<[1], [0], [0], [1], [0, 0, 1, 1], [], []>, precision = #tpu.contract_precision<fp32>, transpose_lhs_hint = false} : vector<680x300xf32>, vector<300x256xf32>, vector<680x256xf32> -> vector<680x256xf32>
    %add3A_28 = arith.addf %add3A_19, %dot_general3A_27 : vector<680x256xf32>
    %slice3A_29 = vector.extract_strided_slice %get3A_1 {offsets = [4, 0], sizes = [676, 300], strides = [1, 1]} : vector<680x300xf32> to vector<676x300xf32>
    %broadcast_in_dim3A_30 = arith.constant 0.000000e+00 : f32
    %broadcast_in_dim3A_31 = vector.broadcast %broadcast_in_dim3A_30 : f32 to vector<4x300xf32>
    %concatenate3A_32 = tpu.concatenate %slice3A_29, %broadcast_in_dim3A_31 in 0 : vector<676x300xf32>, vector<4x300xf32> -> vector<680x300xf32>
    %slice3A_33 = vector.extract_strided_slice %get3A_5 {offsets = [3, 0, 0], sizes = [1, 300, 256], strides = [1, 1, 1]} : vector<5x300x256xf32> to vector<1x300x256xf32>
    %squeeze3A_34 = vector.shape_cast %slice3A_33 : vector<1x300x256xf32> to vector<300x256xf32>
    %dot_general3A_35 = arith.constant dense<0.000000e+00> : vector<680x256xf32>
    %dot_general3A_36 = tpu.matmul %concatenate3A_32, %squeeze3A_34, %dot_general3A_35 {dimension_numbers = #tpu.dot_dimension_numbers<[1], [0], [0], [1], [0, 0, 1, 1], [], []>, precision = #tpu.contract_precision<fp32>, transpose_lhs_hint = false} : vector<680x300xf32>, vector<300x256xf32>, vector<680x256xf32> -> vector<680x256xf32>
    %add3A_37 = arith.addf %add3A_28, %dot_general3A_36 : vector<680x256xf32>
    %slice3A_38 = vector.extract_strided_slice %get3A_1 {offsets = [5, 0], sizes = [675, 300], strides = [1, 1]} : vector<680x300xf32> to vector<675x300xf32>
    %broadcast_in_dim3A_39 = arith.constant 0.000000e+00 : f32
    %broadcast_in_dim3A_40 = vector.broadcast %broadcast_in_dim3A_39 : f32 to vector<5x300xf32>
    %concatenate3A_41 = tpu.concatenate %slice3A_38, %broadcast_in_dim3A_40 in 0 : vector<675x300xf32>, vector<5x300xf32> -> vector<680x300xf32>
    %slice3A_42 = vector.extract_strided_slice %get3A_5 {offsets = [4, 0, 0], sizes = [1, 300, 256], strides = [1, 1, 1]} : vector<5x300x256xf32> to vector<1x300x256xf32>
    %squeeze3A_43 = vector.shape_cast %slice3A_42 : vector<1x300x256xf32> to vector<300x256xf32>
    %dot_general3A_44 = arith.constant dense<0.000000e+00> : vector<680x256xf32>
    %dot_general3A_45 = tpu.matmul %concatenate3A_41, %squeeze3A_43, %dot_general3A_44 {dimension_numbers = #tpu.dot_dimension_numbers<[1], [0], [0], [1], [0, 0, 1, 1], [], []>, precision = #tpu.contract_precision<fp32>, transpose_lhs_hint = false} : vector<680x300xf32>, vector<300x256xf32>, vector<680x256xf32> -> vector<680x256xf32>
    %add3A_46 = arith.addf %add3A_37, %dot_general3A_45 : vector<680x256xf32>
    %slice3A_47 = vector.extract_strided_slice %add3A_46 {offsets = [0, 0], sizes = [680, 128], strides = [1, 1]} : vector<680x256xf32> to vector<680x128xf32>
    %slice3A_48 = vector.extract_strided_slice %add3A_46 {offsets = [0, 128], sizes = [680, 128], strides = [1, 1]} : vector<680x256xf32> to vector<680x128xf32>
    %mul3A = arith.mulf %slice3A_47, %slice3A_47 : vector<680x128xf32>
    %mul3A_49 = arith.mulf %slice3A_48, %slice3A_48 : vector<680x128xf32>
    %add3A_50 = arith.addf %mul3A, %mul3A_49 : vector<680x128xf32>
    %get3A_51 = arith.constant 0 : index
    %get3A_52 = arith.constant 0 : index
    %get3A_53 = vector.load %arg2[%get3A_51, %get3A_52] : memref<128x128xf32, #tpu.memory_space<vmem>>, vector<128x128xf32>
    %dot_general3A_54 = arith.constant dense<0.000000e+00> : vector<680x128xf32>
    %dot_general3A_55 = tpu.matmul %add3A_50, %get3A_53, %dot_general3A_54 {dimension_numbers = #tpu.dot_dimension_numbers<[1], [0], [0], [1], [0, 0, 1, 1], [], []>, transpose_lhs_hint = false} : vector<680x128xf32>, vector<128x128xf32>, vector<680x128xf32> -> vector<680x128xf32>
    %add3A_56 = arith.constant 9.99999974E-6 : f32
    %add3A_57 = vector.broadcast %add3A_56 : f32 to vector<680x128xf32>
    %add3A_58 = arith.addf %add3A_57, %dot_general3A_55 : vector<680x128xf32>
    %log3A = math.log %add3A_58 : vector<680x128xf32>
    %add3A_59 = arith.constant 4.000000e+00 : f32
    %add3A_60 = vector.broadcast %add3A_59 : f32 to vector<680x128xf32>
    %add3A_61 = arith.addf %log3A, %add3A_60 : vector<680x128xf32>
    %mul3A_62 = arith.constant 2.500000e-01 : f32
    %mul3A_63 = vector.broadcast %mul3A_62 : f32 to vector<680x128xf32>
    %mul3A_64 = arith.mulf %add3A_61, %mul3A_63 : vector<680x128xf32>
    %get3A_65 = arith.constant 0 : index
    %get3A_66 = arith.constant 0 : index
    %get3A_67 = vector.load %arg3[%get3A_65, %get3A_66] : memref<128x256xf32, #tpu.memory_space<vmem>>, vector<128x256xf32>
    %dot_general3A_68 = arith.constant dense<0.000000e+00> : vector<680x256xf32>
    %dot_general3A_69 = tpu.matmul %mul3A_64, %get3A_67, %dot_general3A_68 {dimension_numbers = #tpu.dot_dimension_numbers<[1], [0], [0], [1], [0, 0, 1, 1], [], []>, transpose_lhs_hint = false} : vector<680x128xf32>, vector<128x256xf32>, vector<680x256xf32> -> vector<680x256xf32>
    %get3A_70 = arith.constant 0 : index
    %get3A_71 = arith.constant 0 : index
    %get3A_72 = vector.load %arg4[%get3A_70, %get3A_71] : memref<1x256xf32, #tpu.memory_space<vmem>>, vector<1x256xf32>
    %add3A_73 = vector.broadcast %get3A_72 : vector<1x256xf32> to vector<680x256xf32>
    %add3A_74 = arith.addf %dot_general3A_69, %add3A_73 : vector<680x256xf32>
    %get3A_75 = arith.constant 0 : index
    %get3A_76 = arith.constant 0 : index
    %get3A_77 = vector.load %arg5[%get3A_75, %get3A_76] : memref<680x1xf32, #tpu.memory_space<vmem>>, vector<680x1xf32>
    %mul3A_78 = vector.broadcast %get3A_77 : vector<680x1xf32> to vector<680x256xf32>
    %mul3A_79 = arith.mulf %add3A_74, %mul3A_78 : vector<680x256xf32>
    %swap3A = arith.constant 0 : index
    %swap3A_80 = arith.constant 0 : index
    %swap3A_81 = vector.load %arg6[%swap3A, %swap3A_80] : memref<680x256xf32, #tpu.memory_space<vmem>>, vector<680x256xf32>
    tpu.vector_store %arg6[%swap3A, %swap3A_80], %mul3A_79 {strides = array<i32>} : memref<680x256xf32, #tpu.memory_space<vmem>>, vector<680x256xf32>,
    return
  }
}

module attributes {stable_mosaic.version = 14 : i64} {
  func.func @_fin_body(%arg0: memref<4x1024x160xf32, #tpu.memory_space<vmem>>, %arg1: memref<8x640xf32, #tpu.memory_space<vmem>>, %arg2: memref<768x128xf32, #tpu.memory_space<vmem>>, %arg3: memref<1024x8xf32, #tpu.memory_space<vmem>>, %arg4: memref<1024x1xf32, #tpu.memory_space<vmem>>, %arg5: memref<4x1024x160xf32, #tpu.memory_space<vmem>>) attributes {dimension_semantics = [], scalar_prefetch = 0 : i64, scratch_operands = 0 : i64, tpu.core_type = #tpu.core_type<tc>} {
    %get3A = arith.constant 0 : index
    %get3A_0 = arith.constant 0 : index
    %get3A_1 = vector.load %arg2[%get3A, %get3A_0] : memref<768x128xf32, #tpu.memory_space<vmem>>, vector<768x128xf32>
    %slice3A = vector.extract_strided_slice %get3A_1 {offsets = [0, 0], sizes = [640, 8], strides = [1, 1]} : vector<768x128xf32> to vector<640x8xf32>
    %transpose3A = tpu.transpose %slice3A, [1, 0] : vector<640x8xf32> -> vector<8x640xf32>
    %get3A_2 = arith.constant 0 : index
    %get3A_3 = arith.constant 0 : index
    %get3A_4 = vector.load %arg1[%get3A_2, %get3A_3] : memref<8x640xf32, #tpu.memory_space<vmem>>, vector<8x640xf32>
    %sub3A = arith.subf %transpose3A, %get3A_4 : vector<8x640xf32>
    %add3A = arith.addf %get3A_4, %sub3A : vector<8x640xf32>
    %get3A_5 = arith.constant 0 : index
    %get3A_6 = arith.constant 0 : index
    %get3A_7 = vector.load %arg3[%get3A_5, %get3A_6] : memref<1024x8xf32, #tpu.memory_space<vmem>>, vector<1024x8xf32>
    %dot_general3A = arith.constant dense<0.000000e+00> : vector<1024x640xf32>
    %dot_general3A_8 = tpu.matmul %get3A_7, %add3A, %dot_general3A {dimension_numbers = #tpu.dot_dimension_numbers<[1], [0], [0], [1], [0, 0, 1, 1], [], []>, transpose_lhs_hint = false} : vector<1024x8xf32>, vector<8x640xf32>, vector<1024x640xf32> -> vector<1024x640xf32>
    %get3A_9 = arith.constant 0 : index
    %get3A_10 = arith.constant 0 : index
    %get3A_11 = vector.load %arg4[%get3A_9, %get3A_10] : memref<1024x1xf32, #tpu.memory_space<vmem>>, vector<1024x1xf32>
    %add3A_12 = vector.broadcast %get3A_11 : vector<1024x1xf32> to vector<1024x640xf32>
    %add3A_13 = arith.addf %dot_general3A_8, %add3A_12 : vector<1024x640xf32>
    %get3A_14 = arith.constant 0 : index
    %get3A_15 = arith.constant 0 : index
    %get3A_16 = arith.constant 0 : index
    %get3A_17 = vector.load %arg0[%get3A_14, %get3A_15, %get3A_16] : memref<4x1024x160xf32, #tpu.memory_space<vmem>>, vector<1x1024x160xf32>
    %get3A_18 = vector.shape_cast %get3A_17 : vector<1x1024x160xf32> to vector<1024x160xf32>
    %slice3A_19 = vector.extract_strided_slice %add3A_13 {offsets = [0, 0], sizes = [1024, 160], strides = [1, 1]} : vector<1024x640xf32> to vector<1024x160xf32>
    %add3A_20 = arith.addf %get3A_18, %slice3A_19 : vector<1024x160xf32>
    %swap3A = arith.constant 0 : index
    %swap3A_21 = arith.constant 0 : index
    %swap3A_22 = arith.constant 0 : index
    %swap3A_23 = vector.load %arg5[%swap3A, %swap3A_21, %swap3A_22] : memref<4x1024x160xf32, #tpu.memory_space<vmem>>, vector<1x1024x160xf32>
    %swap3A_24 = vector.shape_cast %swap3A_23 : vector<1x1024x160xf32> to vector<1024x160xf32>
    %swap3A_25 = vector.shape_cast %add3A_20 : vector<1024x160xf32> to vector<1x1024x160xf32>
    tpu.vector_store %arg5[%swap3A, %swap3A_21, %swap3A_22], %swap3A_25 {strides = array<i32>} : memref<4x1024x160xf32, #tpu.memory_space<vmem>>, vector<1x1024x160xf32>,
    %get3A_26 = arith.constant 1 : index
    %get3A_27 = arith.constant 0 : index
    %get3A_28 = arith.constant 0 : index
    %get3A_29 = vector.load %arg0[%get3A_26, %get3A_27, %get3A_28] : memref<4x1024x160xf32, #tpu.memory_space<vmem>>, vector<1x1024x160xf32>
    %get3A_30 = vector.shape_cast %get3A_29 : vector<1x1024x160xf32> to vector<1024x160xf32>
    %slice3A_31 = vector.extract_strided_slice %add3A_13 {offsets = [0, 160], sizes = [1024, 160], strides = [1, 1]} : vector<1024x640xf32> to vector<1024x160xf32>
    %add3A_32 = arith.addf %get3A_30, %slice3A_31 : vector<1024x160xf32>
    %swap3A_33 = arith.constant 1 : index
    %swap3A_34 = arith.constant 0 : index
    %swap3A_35 = arith.constant 0 : index
    %swap3A_36 = vector.load %arg5[%swap3A_33, %swap3A_34, %swap3A_35] : memref<4x1024x160xf32, #tpu.memory_space<vmem>>, vector<1x1024x160xf32>
    %swap3A_37 = vector.shape_cast %swap3A_36 : vector<1x1024x160xf32> to vector<1024x160xf32>
    %swap3A_38 = vector.shape_cast %add3A_32 : vector<1024x160xf32> to vector<1x1024x160xf32>
    tpu.vector_store %arg5[%swap3A_33, %swap3A_34, %swap3A_35], %swap3A_38 {strides = array<i32>} : memref<4x1024x160xf32, #tpu.memory_space<vmem>>, vector<1x1024x160xf32>,
    %get3A_39 = arith.constant 2 : index
    %get3A_40 = arith.constant 0 : index
    %get3A_41 = arith.constant 0 : index
    %get3A_42 = vector.load %arg0[%get3A_39, %get3A_40, %get3A_41] : memref<4x1024x160xf32, #tpu.memory_space<vmem>>, vector<1x1024x160xf32>
    %get3A_43 = vector.shape_cast %get3A_42 : vector<1x1024x160xf32> to vector<1024x160xf32>
    %slice3A_44 = vector.extract_strided_slice %add3A_13 {offsets = [0, 320], sizes = [1024, 160], strides = [1, 1]} : vector<1024x640xf32> to vector<1024x160xf32>
    %add3A_45 = arith.addf %get3A_43, %slice3A_44 : vector<1024x160xf32>
    %swap3A_46 = arith.constant 2 : index
    %swap3A_47 = arith.constant 0 : index
    %swap3A_48 = arith.constant 0 : index
    %swap3A_49 = vector.load %arg5[%swap3A_46, %swap3A_47, %swap3A_48] : memref<4x1024x160xf32, #tpu.memory_space<vmem>>, vector<1x1024x160xf32>
    %swap3A_50 = vector.shape_cast %swap3A_49 : vector<1x1024x160xf32> to vector<1024x160xf32>
    %swap3A_51 = vector.shape_cast %add3A_45 : vector<1024x160xf32> to vector<1x1024x160xf32>
    tpu.vector_store %arg5[%swap3A_46, %swap3A_47, %swap3A_48], %swap3A_51 {strides = array<i32>} : memref<4x1024x160xf32, #tpu.memory_space<vmem>>, vector<1x1024x160xf32>,
    %get3A_52 = arith.constant 3 : index
    %get3A_53 = arith.constant 0 : index
    %get3A_54 = arith.constant 0 : index
    %get3A_55 = vector.load %arg0[%get3A_52, %get3A_53, %get3A_54] : memref<4x1024x160xf32, #tpu.memory_space<vmem>>, vector<1x1024x160xf32>
    %get3A_56 = vector.shape_cast %get3A_55 : vector<1x1024x160xf32> to vector<1024x160xf32>
    %slice3A_57 = vector.extract_strided_slice %add3A_13 {offsets = [0, 480], sizes = [1024, 160], strides = [1, 1]} : vector<1024x640xf32> to vector<1024x160xf32>
    %add3A_58 = arith.addf %get3A_56, %slice3A_57 : vector<1024x160xf32>
    %swap3A_59 = arith.constant 3 : index
    %swap3A_60 = arith.constant 0 : index
    %swap3A_61 = arith.constant 0 : index
    %swap3A_62 = vector.load %arg5[%swap3A_59, %swap3A_60, %swap3A_61] : memref<4x1024x160xf32, #tpu.memory_space<vmem>>, vector<1x1024x160xf32>
    %swap3A_63 = vector.shape_cast %swap3A_62 : vector<1x1024x160xf32> to vector<1024x160xf32>
    %swap3A_64 = vector.shape_cast %add3A_58 : vector<1024x160xf32> to vector<1x1024x160xf32>
    tpu.vector_store %arg5[%swap3A_59, %swap3A_60, %swap3A_61], %swap3A_64 {strides = array<i32>} : memref<4x1024x160xf32, #tpu.memory_space<vmem>>, vector<1x1024x160xf32>,
    return
  }
}

</mosaic_0001>

<sc_bundles>
// kernel: kernel.7.cloned.1.call-start
scs
__scs_entry_jumppad:
0x0: {  	(pc) =	sbr.rel $0x88, $3  }
0x1: {  	(tag) =	ssettag $0x0;
	lr =	simm.s32 $0x1  }
0x2: {  	[smem:$0x3F88] =	sst lr;
	_ =	strace $0xD0000000  }
0x3: {  	_ = 	snop  }
0x4: {  	_ = 	snop  }
0x5: {  	_ = 	snop  }
0x6: {  	_ = 	snop  }
0x7: {  	_ = 	snop  }
__scs_overlays_trampoline_lowered:
0x8: {  	[smem:$0x3F97] =	sst s0  }
0x9: {  	[smem:$0x3F98] =	sst s1  }
0xa: {  	[smem:$0x3F99] =	sst s2  }
0xb: {  	[smem:$0x3F9A] =	sst s3  }
0xc: {  	[smem:$0x3F9B] =	sst s4  }
0xd: {  	[smem:$0x3F9C] =	sst s5  }
0xe: {  	[smem:$0x3F9D] =	sst s6  }
0xf: {  	[smem:$0x3F9E] =	sst s7  }
0x10: {  	[smem:$0x3F9F] =	sst s8  }
0x11: {  	[smem:$0x3FA0] =	sst s9;
	s0 =	simm.s32 @!p0 $0x0  }
0x12: {  	s1 =	sld [smem:$0x3F86];
	s0 =	simm.s32 @p0 $0x1  }
0x13: {  	[smem:$0x3FA1] =	sst s0;
	s0 =	simm.s32 @!p1 $0x0  }
0x14: {  	s2 =	sld [smem:$0x3F85];
	s0 =	simm.s32 @p1 $0x1  }
0x15: {  	[smem:$0x3FA2] =	sst s0;
	s0 =	simm.s32 @!p2 $0x0  }
0x16: {  	s3 =	sld [smem:$0x3FDB];
	s0 =	simm.s32 @p2 $0x1  }
0x17: {  	s4 =	simm.s32 $0x1BF5;
	[smem:$0x3FA4] =	sst s0  }
0x18: {  	s0 =	sld [smem:$0x3F87];
	_ =	swait.ge [sflag:s4], $0x0  }
0x19: {  	s7 =	sld [smem:$0x3F88]  }
0x1a: {  	s8 =	sadd.s32 $0xFFFFE003, lr  }
0x1b: {  	s9 =	sadd.s32 $0xFFFFFEF7, lr;
	s5 =	simm.s32 $0xFFFFFFFF;
	p2 =	slt.u32 s8, $0xFFFFF086  }
0x1c: {  	p1 =	slt.u32 s9, $0xF7A;
	s5 =	simm.s32 @!p2 $0x0  }
0x1d: {  	s5 =	simm.s32 @p1 $0x1;
	p0 =	seq.s32 s7, s2  }
0x1e: {  	s7 =	smul.u32 @!p0 $0xF7A, s2;
	p2 =	seq.s32 @!p0 s5, $0x0  }
0x1f: {  	s9 =	smul.u32 $0xF7A, s1;
	s8 =	simm.s32 @!p0 $0x1BF5;
	p2 =	por !p2, p0  }
0x20: {  	[sflag:s8] =	ssyncset.s32 @!p0 $0xFFFFF086;
	s6 =	sadd.s32 @!p0 s3, s7;
	s7 =	simm.s32 @!p0 $0x108  }
0x21: {  	s3 =	sadd.s32 s3, s9;
	s6 =	sadd.s32 @!p0 $0x88, s6;
	s7 =	simm.s32 @p2 $0x1082  }
0x22: {  	[simem:s7], [sflag:s8] =	dma.local @!p0 [hbm:s6], $0xF7A  }
0x23: {  	s9 =	sor.u32 $0xD0000000, s2;
	s6 =	simm.s32 $0x108;
	_ =	swait.ge @!p0 [sflag:s8], $0x0  }
0x24: {  	s3 =	sadd.s32 $0x88, s3;
	s6 =	simm.s32 @!p1 $0x1082;
	[sflag:s4] =	ssyncset.s32 $0xFFFFF086  }
0x25: {  	[simem:s6], [sflag:s4] =	dma.local [hbm:s3], $0xF7A  }
0x26: {  	[smem:$0x3F88] =	sst s1;
	(tag) =	ssettag s2;
	_ =	strace s9  }
0x27: {  	s1 =	sld [smem:$0x3F98]  }
0x28: {  	s2 =	sld [smem:$0x3F99]  }
0x29: {  	s4 =	sld [smem:$0x3F9B]  }
0x2a: {  	p0 =	seq.s32 s5, $0x0;
	s5 =	sld [smem:$0x3F9C]  }
0x2b: {  	s6 =	sld [smem:$0x3F9D]  }
0x2c: {  	s7 =	sld [smem:$0x3F9E]  }
0x2d: {  	s3 =	simm.s32 $0x108;
	s8 =	sld [smem:$0x3F9F]  }
0x2e: {  	s3 =	simm.s32 @!p0 $0x1082;
	s9 =	sld [smem:$0x3FA0]  }
0x2f: {  	lr =	sadd.s32 s0, s3;
	s0 =	sld [smem:$0x3F97]  }
0x30: {  	s3 =	sld [smem:$0x3F9A]  }
0x31: {  	[smem:$0x3FA3] =	sst s10  }
0x32: {  	s10 =	sld [smem:$0x3FA1];
	_ =	sdelay $0x3  }
0x33: {  	p0 =	seq.s32 s10, $0x1;
	s10 =	sld [smem:$0x3FA3];
	_ =	sdelay $0x3  }
0x34: {  	[smem:$0x3FA3] =	sst s10  }
0x35: {  	s10 =	sld [smem:$0x3FA2];
	_ =	sdelay $0x3  }
0x36: {  	p1 =	seq.s32 s10, $0x1;
	s10 =	sld [smem:$0x3FA3];
	_ =	sdelay $0x3  }
0x37: {  	[smem:$0x3FA3] =	sst s10  }
0x38: {  	s10 =	sld [smem:$0x3FA4]  }
0x39: {  	_ = 	snop;
	(pc) =	sbr.ind lr, $3  }
0x3a: {  	_ = 	snop  }
0x3b: {  	_ = 	snop  }
0x3c: {  	p2 =	seq.s32 s10, $0x1;
	s10 =	sld [smem:$0x3FA3]  }
0x3d: {  	_ =	shalt  }
0x3e: {  	_ =	shalt  }
0x3f: {  	_ =	shalt  }
0x40: {  	_ =	shalt  }
0x41: {  	_ =	shalt  }
0x42: {  	_ =	shalt  }
0x43: {  	_ =	shalt  }
0x44: {  	_ =	shalt  }
0x45: {  	_ =	shalt  }
0x46: {  	_ =	shalt  }
0x47: {  	_ =	shalt  }
0x48: {  	_ =	shalt  }
0x49: {  	_ =	shalt  }
0x4a: {  	_ =	shalt  }
0x4b: {  	_ =	shalt  }
0x4c: {  	_ =	shalt  }
0x4d: {  	_ =	shalt  }
0x4e: {  	_ =	shalt  }
0x4f: {  	_ =	shalt  }
0x50: {  	_ =	shalt  }
0x51: {  	_ =	shalt  }
0x52: {  	_ =	shalt  }
0x53: {  	_ =	shalt  }
0x54: {  	_ =	shalt  }
0x55: {  	_ =	shalt  }
0x56: {  	_ =	shalt  }
0x57: {  	_ =	shalt  }
0x58: {  	_ =	shalt  }
0x59: {  	_ =	shalt  }
0x5a: {  	_ =	shalt  }
0x5b: {  	_ =	shalt  }
0x5c: {  	_ =	shalt  }
0x5d: {  	_ =	shalt  }
0x5e: {  	_ =	shalt  }
0x5f: {  	_ =	shalt  }
0x60: {  	_ =	shalt  }
0x61: {  	_ =	shalt  }
0x62: {  	_ =	shalt  }
0x63: {  	_ =	shalt  }
0x64: {  	_ =	shalt  }
0x65: {  	_ =	shalt  }
0x66: {  	_ =	shalt  }
0x67: {  	_ =	shalt  }
0x68: {  	_ =	shalt  }
0x69: {  	_ =	shalt  }
0x6a: {  	_ =	shalt  }
0x6b: {  	_ =	shalt  }
0x6c: {  	_ =	shalt  }
0x6d: {  	_ =	shalt  }
0x6e: {  	_ =	shalt  }
0x6f: {  	_ =	shalt  }
0x70: {  	_ =	shalt  }
0x71: {  	_ =	shalt  }
0x72: {  	_ =	shalt  }
0x73: {  	_ =	shalt  }
0x74: {  	_ =	shalt  }
0x75: {  	_ =	shalt  }
0x76: {  	_ =	shalt  }
0x77: {  	_ =	shalt  }
0x78: {  	_ =	shalt  }
0x79: {  	_ =	shalt  }
0x7a: {  	_ =	shalt  }
0x7b: {  	_ =	shalt  }
0x7c: {  	_ =	shalt  }
0x7d: {  	_ =	shalt  }
0x7e: {  	_ =	shalt  }
0x7f: {  	_ =	shalt  }
0x80: {  	_ =	shalt  }
0x81: {  	_ =	shalt  }
0x82: {  	_ =	shalt  }
0x83: {  	_ =	shalt  }
0x84: {  	_ =	shalt  }
0x85: {  	_ =	shalt  }
0x86: {  	_ =	shalt  }
0x87: {  	_ =	shalt  }
.Lfunc_end0:
.L_simem_size_0:
called_computation_lowered:
.L_overlay_start_0:
0x88: {  	s2 =	sld [smem:$0x3FD9]  }
0x89: {  	s3 =	sld [smem:$0x3FFE];
	_ =	sdelay $0x1  }
0x8a: {  	s1 =	srdreg.scid  }
0x8b: {  	s0 =	sand.u32 $0x1, s1  }
0x8c: {  	s14 =	sshll.u32 s0, $0xA;
	s2 =	sadd.s32 s3, s2  }
0x8d: {  	s2 =	sadd.s32 s2, s14  }
0x8e: {  	[smem:$0x3FAF] =	sst s2  }
0x8f: {  	_ = 	snop  }
0x90: {  	s2 =	sld [smem:$0x3FD0];
	_ =	sdelay $0x2  }
0x91: {  	s15 =	simm.s32 $0xA;
	s4 =	simm.s32 $0x10  }
0x92: {  	[smem:s4], [sflag:s15] =	dma.local [hbm:s2], $0x1  }
0x93: {  	_ =	swait.eq [sflag:s15], $0x1  }
0x94: {  	[sflag:s15] =	ssyncset.done $0x0  }
0x95: {  	[sflag:s15] =	ssyncadd.s32 $0xFFFFFFFF  }
0x96: {  	s16 =	sld [smem:$0x12];
	(tm) =	ssettm $0x1  }
0x97: {  	s17 =	sld [smem:$0x3FFB];
	_ =	sdelay $0x3  }
0x98: {  	_ =	strace s17  }
0x99: {  	s3 =	sld [smem:$0x3FFC];
	_ =	sdelay $0x3  }
0x9a: {  	_ =	strace s3  }
0x9b: {  	s3 =	sld [smem:$0x3FFD];
	_ =	sdelay $0x3  }
0x9c: {  	_ =	strace s3  }
0x9d: {  	_ =	strace $0x8FFFFFFF  }
0x9e: {  	s18 =	sld [smem:$0x3FDB];
	_ =	sdelay $0x1  }
0x9f: {  	s19 =	simm.s32 $_scs_section_size  }
0xa0: {  	s5 =	simm.s32 $_size__tile_overlayer_lowered;
	s6 =	simm.s32 $_tile_overlayer_lowered  }
0xa1: {  	s22 =	simm.s32 $0x1BFF;
	s21 =	sshll.u32 s6, $0x1;
	s3 =	sadd.s32 s19, s18  }
0xa2: {  	s7 =	simm.s32 $0x0;
	s20 =	sshll.u32 s5, $0x1;
	s5 =	sadd.s32 s21, s3  }
0xa3: {  	[timem:s7], [sflag:s22] =	dma.local [hbm:s5], s20  }
0xa4: {  	_ =	swait.ge [sflag:s22], s20  }
0xa5: {  	s4 =	ssub.s32 $0x0, s20;
	[sflag:s22] =	ssyncset.done $0x0  }
0xa6: {  	[sflag:s22] =	ssyncadd.s32 s4;
	_ =	sdelay $0x1  }
0xa7: {  	s23 =	simm.s32 $0x1B8B  }
0xa8: {  	_ =	swait.ge [sflag:s23], $0x1  }
0xa9: {  	[sflag:s23] =	ssyncset.done $0x0  }
0xaa: {  	s25 =	simm.s32 $0x1B8E;
	s24 =	sld [smem:$0x3FFE];
	[sflag:s23] =	ssyncadd.s32 $0xFFFFFFFF  }
0xab: {  	s26 =	simm.s32 $execute0_lowered;
	[smem:$0x3FD2] =	sst s25  }
0xac: {  	s5 =	sshll.u32 s26, $0x1;
	_ =	strace $0x80000046;
	[dreg:$0x1] =	wrdreg $0xFFFFFFFF  }
0xad: {  	s28 =	simm.s32 $_size_execute0_lowered;
	s3 =	sadd.s32 s3, s5;
	[dreg:$0x0] =	wrdreg $0x0  }
0xae: {  	s5 =	sshll.u32 s28, $0x1;
	[dreg:$0x2] =	wrdreg s3  }
0xaf: {  	[dreg:$0x3] =	wrdreg s5  }
0xb0: {  	[dreg:$0x4] =	wrdreg $0xC0  }
0xb1: {  	_ =	task [dreg:s7], $0x5FFFF  }
0xb2: {  	[dreg:$0x1] =	wrdreg $0xFFFFFFFF  }
0xb3: {  	[dreg:$0x0] =	wrdreg $0x60  }
0xb4: {  	[dreg:$0x2] =	wrdreg s24  }
0xb5: {  	[dreg:$0x3] =	wrdreg s16  }
0xb6: {  	[dreg:$0x4] =	wrdreg $0x9  }
0xb7: {  	_ =	task.clear_ibuf [dreg:s7], $0x5FFFF;
	_ =	strace $0x90000046  }
0xb8: {  	s29 =	simm.s32 $0x9;
	_ =	strace $0x80000048  }
0xb9: {  	_ =	swait.ge [sflag:s29], $0x1  }
0xba: {  	[sflag:s29] =	ssyncadd.s32 $0xFFFFFFFF  }
0xbb: {  	_ =	strace $0x90000048  }
0xbc: {  	_ =	sfence  }
0xbd: {  	s30 =	sld [smem:$0x0];
	_ =	sdelay $0x2  }
0xbe: {  	s31 =	sshll.u32 s1, $0xD;
	s1 =	sshrl.u32 s1, $0x2  }
0xbf: {  	s3 =	sand.u32 $0x4000, s31;
	s1 =	sadd.s32 s1, s30  }
0xc0: {  	s0 =	sor.u32 s3, s0;
	s1 =	sshll.u32 s1, $0x11  }
0xc1: {  	s0 =	sor.u32 s1, s0  }
0xc2: {  	s0 =	sadd.s32 $0x8F2B, s0  }
0xc3: {  	[sflag:s0] =	ssyncadd.remote.s32 $0x1  }
0xc4: {  	_ =	sfence.sel $0xFFFF  }
0xc5: {  	[dreg:$0x0] =	wrdreg $0xFFFFFFFF;
	(pc) =	sbr.abs _section_cstart, $3  }
0xc6: {  	[dreg:$0x1] =	wrdreg $0xFFFFFFFF  }
0xc7: {  	_ =	task.clear_ibuf [dreg:s7], $0x2FFFF;
	_ =	strace $0x9FFFFFFF  }
0xc8: {  	(tm) =	ssettm $0x7FFFFFFF  }
0xc9: {  	_ =	shalt  }
tec
execute0_lowered:
.L_overlay_start_1:
0x0: {  	(tag) =	ssettag $0x1  }
0x1: {  	s1 =	srdreg.scid;
	s0 =	stileid.u32  }
0x2: {  	s9 =	rddreg [dreg:$0x0];
	s6 =	sand.u32 $0x1, s1;
	s30 =	sshll.u32 s0, $0x1  }
0x3: {  	s2 =	rddreg [dreg:$0x1];
	s7 =	sor.u32 s6, s30  }
0x4: {  	s3 =	simm.s32 $0x0;
	s1 =	rddreg [dreg:$0x2];
	s4 =	smul.u32 $0x3, s7  }
0x5: {  	s8 =	simm.s32 $0x1;
	[smem:$0x7FF] =	sst s3  }
0x6: {  	_ =	strace $0x80000047;
	s11 =	ssub.s32 $0x2, s6;
	s4 =	sadd.s32 s4, s9  }
0x7: {  	s6 =	simm.s32 $0x18;
	s5 =	sadd.s32 $0x3E00, s4;
	s4 =	simm.s32 $0x2  }
0x8: {  	[tilespmem:s3], [sflag:$0x2] =	stream.linear.gather [hbm4b:s5+s3], $0x18, $0x38;
	[tilespmem:$0xC80] =	vst v63  }
0x9: {  	s10 =	smul.u32 $0x180, s7;
	s12 =	sshrl.u32 s11, $0x1;
	_ =	swait.ge [sflag:s4], $0x18  }
0xa: {  	s7 =	simm.s32 $0x80;
	s31 =	ssub.s32 s11, s12;
	[sflag:s4] =	ssyncset.done $0x0  }
0xb: {  	s9 =	sadd.s32 s10, s9;
	s10 =	smax.u32 s31, $0x1;
	[sflag:s4] =	ssyncadd.s32 $0xFFFFFFE8  }
0xc: {  	[tilespmem:s7], [sflag:$0x1] =	stream.indirect.gather [hbm4b:s2+s6], $0x80, s3, s6, $0xb8;
	[tilespmem:$0xC80] =	vst v63  }
0xd: {  	p0 =	sne.s32 s10, $0x1;
	_ =	swait.ge [sflag:s8], $0xC00  }
.Ltmp0:
0xe: {  	[sflag:s8] =	ssyncset.done $0x0;
	(pc) =	sbr.rel @!p0 .LBB2_2-.Ltmp0, $4  }
0xf: {  	s9 =	sadd.s32 $0x4000, s9;
	[sflag:s8] =	ssyncadd.s32 $0xFFFFF400  }
0x10: {  	[hbm4b:s9+s3] =	stream.linear.scatter [tilespmem:s7], [sflag:$0x2], $0xC00, $0x38;
	[tilespmem:$0xC80] =	vst v63  }
0x11: {  	_ =	swait.ge [sflag:s4], $0xC00  }
0x12: {  	s10 =	sadd.s32 $0xFFFFFFFF, s10;
	[sflag:s4] =	ssyncset.done $0x0  }
.LBB2_1:
0x13: {  	p0 =	sne.s32 s10, $0x1;
	s10 =	sadd.s32 $0xFFFFFFFF, s10;
	[sflag:s4] =	ssyncadd.s32 $0xFFFFF400  }
0x14: {  	[tilespmem:s3], [sflag:$0x2] =	stream.linear.gather [hbm4b:s5+s3], $0x18, $0x38;
	[tilespmem:$0xC80] =	vst v63  }
0x15: {  	_ =	swait.ge [sflag:s4], $0x18  }
0x16: {  	[sflag:s4] =	ssyncset.done $0x0  }
0x17: {  	[sflag:s4] =	ssyncadd.s32 $0xFFFFFFE8  }
0x18: {  	[tilespmem:s7], [sflag:$0x1] =	stream.indirect.gather [hbm4b:s2+s6], $0x80, s3, s6, $0xb8;
	[tilespmem:$0xC80] =	vst v63  }
0x19: {  	_ =	swait.ge [sflag:s8], $0xC00  }
.Ltmp1:
0x1a: {  	[sflag:s8] =	ssyncset.done $0x0;
	(pc) =	sbr.rel @p0 .LBB2_1-.Ltmp1, $4  }
0x1b: {  	[sflag:s8] =	ssyncadd.s32 $0xFFFFF400  }
0x1c: {  	[hbm4b:s9+s3] =	stream.linear.scatter [tilespmem:s7], [sflag:$0x2], $0xC00, $0x38;
	[tilespmem:$0xC80] =	vst v63  }
0x1d: {  	_ =	swait.ge [sflag:s4], $0xC00  }
0x1e: {  	[sflag:s4] =	ssyncset.done $0x0  }
.LBB2_2:
0x1f: {  	[sflag:s4] =	ssyncadd.s32 $0xFFFFF400  }
0x20: {  	_ =	sfence.sel $0x180000  }
0x21: {  	[bflag:$0x0] =	sbarrier.arrive $0xFFFF  }
0x22: {  	p0 =	sne.s32 s0, $0x0;
	_ =	strace $0x90000047  }
0x23: {  	s0 =	sadd.s32 @!p0 $0x100000, s1;
	[bflag:$0x2] =	sbarrier.arrive $0xFFFF  }
0x24: {  	[sflag:s0] =	ssyncadd.tile.s32 @!p0 $0x1;
	_ =	shalt  }
.Lfunc_end2:
_tile_overlayer_lowered:
.L_overlay_start_2:
0x25: {  	(tag) =	ssettag $0x2  }
0x26: {  	s0 =	rddreg [dreg:$0x0];
	s2 =	stileid.u32  }
0x27: {  	s1 =	rddreg [dreg:$0x1];
	p0 =	sne.s32 s2, $0x0  }
0x28: {  	s3 =	rddreg [dreg:$0x2];
	[bflag:$0x3] =	sbarrier.arrive $0xFFFF;
	s2 =	simm.s32 @!p0 $0x1C02  }
0x29: {  	[timem:s3], [sflag:s2] =	dma.local @!p0 [hbm:s0], s1  }
0x2a: {  	s0 =	simm.s32 @!p0 $0x2  }
0x2b: {  	_ =	swait.ge @!p0 [sflag:s0], s1  }
0x2c: {  	s1 =	ssub.s32 @!p0 $0x0, s1;
	[sflag:s0] =	ssyncset.done @!p0 $0x0  }
0x2d: {  	[sflag:s0] =	ssyncadd.s32 @!p0 s1  }
0x2e: {  	[bflag:$0x3] =	sbarrier.arrive $0xFFFF  }
0x2f: {  	_ =	shalt  }

</sc_bundles>
